<compile_context>
chip_gen: v7x
topology: tpu7x:2x2x1
jax: 0.10.2.dev20260603
libtpu: 0.0.44.dev20260713+nightly
codegen_flags: <defaults>
</compile_context>

<pallas_src>
import functools

import jax
import jax.numpy as jnp
from jax import lax
from jax.experimental import pallas as pl
from jax.experimental.pallas import tpu as pltpu
from jax.experimental.pallas import tpu_sc as plsc

B = 16384
F = 26
V = 100000
D = 16

_INFO = plsc.get_sparse_core_info()
NC = _INFO.num_cores
NS = _INFO.num_subcores
LN = _INFO.num_lanes
NW = NC * NS

PER_W = (B * F) // NW
NROW = 128
NG = PER_W // NROW
GB = 13
NGROUP = NG // GB


def _sc_gather_body(x_hbm, offs_hbm, tab_hbm, out_hbm, idx_v, offs_v, rows_v, gsem):
    wid = lax.axis_index("s") * NC + lax.axis_index("c")
    base = wid * PER_W

    pltpu.sync_copy(x_hbm.at[wid], idx_v)
    pltpu.sync_copy(offs_hbm, offs_v)

    def add_body(i, carry):
        g = i // (NROW // LN)
        c = (i % (NROW // LN)) * LN
        sl = pl.ds(c, LN)
        idx_v[g, sl] = idx_v[g, sl] + offs_v[g, sl]
        return carry

    lax.fori_loop(0, NG * (NROW // LN), add_body, 0)

    def group_body(gi, carry):
        cps = [
            pltpu.make_async_copy(
                tab_hbm.at[idx_v.at[gi * GB + k]],
                rows_v.at[pl.ds(k * NROW, NROW)],
                gsem,
            )
            for k in range(GB)
        ]
        for cp in cps:
            cp.start()
        for cp in cps:
            cp.wait()
        pltpu.sync_copy(rows_v, out_hbm.at[pl.ds(base + gi * (GB * NROW), GB * NROW)])
        return carry

    lax.fori_loop(0, NGROUP, group_body, 0)


@functools.partial(jax.jit, static_argnames=())
def _sc_gather(x3d, offs2d, tab2d):
    return pl.kernel(
        _sc_gather_body,
        out_type=jax.ShapeDtypeStruct((B * F, D), jnp.float32),
        mesh=plsc.VectorSubcoreMesh(core_axis_name="c", subcore_axis_name="s"),
        scratch_types=[
            pltpu.VMEM((NG, NROW), jnp.int32),
            pltpu.VMEM((NG, NROW), jnp.int32),
            pltpu.VMEM((GB * NROW, D), jnp.float32),
            pltpu.SemaphoreType.DMA,
        ],
        compiler_params=pltpu.CompilerParams(use_tc_tiling_on_sc=False),
    )(x3d, offs2d, tab2d)


BT = 2048


def _mlp_body(emb_ref, w1_ref, b1_ref, w2_ref, b2_ref, w3_ref, b3_ref, out_ref):
    h = jnp.dot(emb_ref[...], w1_ref[...], preferred_element_type=jnp.float32)
    h = jnp.maximum(h + b1_ref[...], 0.0)
    h = jnp.dot(h, w2_ref[...], preferred_element_type=jnp.float32)
    h = jnp.maximum(h + b2_ref[...], 0.0)
    o = jnp.dot(h, w3_ref[...], preferred_element_type=jnp.float32) + b3_ref[...]
    out_ref[...] = 1.0 / (1.0 + jnp.exp(-o))


def _mlp(emb, W1, b1, W2, b2, W3, b3):
    FD = F * D
    return pl.pallas_call(
        _mlp_body,
        grid=(B // BT,),
        in_specs=[
            pl.BlockSpec((BT, FD), lambda i: (i, 0)),
            pl.BlockSpec((FD, 1000), lambda i: (0, 0)),
            pl.BlockSpec((1, 1000), lambda i: (0, 0)),
            pl.BlockSpec((1000, 500), lambda i: (0, 0)),
            pl.BlockSpec((1, 500), lambda i: (0, 0)),
            pl.BlockSpec((500, 1), lambda i: (0, 0)),
            pl.BlockSpec((1, 1), lambda i: (0, 0)),
        ],
        out_specs=pl.BlockSpec((BT, 1), lambda i: (i, 0)),
        out_shape=jax.ShapeDtypeStruct((B, 1), jnp.float32),
        compiler_params=pltpu.CompilerParams(
            dimension_semantics=("arbitrary",),
        ),
    )(emb, W1, b1, W2, b2, W3, b3)


def kernel(X, tables, W1, b1, W2, b2, W3, b3):
    tab2d = tables.reshape(F * V, D)
    x3d = X.reshape(NW, NG, NROW)
    offs2d = ((jnp.arange(PER_W, dtype=jnp.int32) % F) * V).reshape(NG, NROW)
    emb2d = _sc_gather(x3d, offs2d, tab2d)
    emb = emb2d.reshape(B, F * D)
    return _mlp(
        emb,
        W1, b1.reshape(1, 1000),
        W2, b2.reshape(1, 500),
        W3, b3.reshape(1, 1),
    )

# --- scband reference (transcript-rebuilt; emitter-appended) ---
"""Pipeline reference for scband-nn-with-entity-embedding-42314017800711 (READ-ONLY COPY).

The authoritative reference and input builder live on the scoring server;
editing this copy changes nothing except your own understanding.
"""

import jax, jax.numpy as jnp
import numpy as np

B = 16384
F = 26
V = 100000
D = 16


def setup_inputs(seed: int = 0) -> dict:
    key = jax.random.key(seed)
    ks = jax.random.split(key, 8)
    X = jax.random.randint(ks[0], (B, F), 0, V, dtype=jnp.int32)
    tables = jax.random.normal(ks[1], (F, V, D), dtype=jnp.float32) * 0.05
    W1 = jax.random.normal(ks[2], (F * D, 1000), dtype=jnp.float32) * 0.05
    b1 = jnp.zeros((1000,), dtype=jnp.float32)
    W2 = jax.random.normal(ks[3], (1000, 500), dtype=jnp.float32) * 0.05
    b2 = jnp.zeros((500,), dtype=jnp.float32)
    W3 = jax.random.normal(ks[4], (500, 1), dtype=jnp.float32) * 0.05
    b3 = jnp.zeros((1,), dtype=jnp.float32)
    return {"X": X, "tables": tables, "W1": W1, "b1": b1, "W2": W2, "b2": b2, "W3": W3, "b3": b3}


def reference(X, tables, W1, b1, W2, b2, W3, b3):
    # Per-field embedding lookup: Embedding(orig_dim, em_dim) applied to each
    # column of X, then Reshape + Concatenate -> [B, F*D]
    emb = jax.vmap(lambda t, idx: jnp.take(t, idx, axis=0), in_axes=(0, 1), out_axes=1)(tables, X)  # [B, F, D]
    emb = emb.reshape(emb.shape[0], F * D)
    # Dense(1000) + relu
    h = jnp.maximum(emb @ W1 + b1, 0.0)
    # Dense(500) + relu
    h = jnp.maximum(h @ W2 + b2, 0.0)
    # Dense(1) + sigmoid
    out = jax.nn.sigmoid(h @ W3 + b3)
    return out

if __name__ == "__main__":
    import jax
    _d = setup_inputs()
    print(jax.jit(kernel)(*tuple(_d.values())))

</pallas_src>

<mosaic_0001>
#map = affine_map<(d0, d1) -> (0, 0, 0)>
#map1 = affine_map<(d0, d1) -> (0, 0)>
module attributes {stable_mosaic.version = 14 : i64} {
  func.func @_sc_gather_body(%arg0: i32, %arg1: i32, %arg2: memref<32x104x128xi32, #tpu.memory_space<hbm>>, %arg3: memref<104x128xi32, #tpu.memory_space<hbm>>, %arg4: memref<2600000x16xf32, #tpu.memory_space<hbm>>, %arg5: memref<425984x16xf32, #tpu.memory_space<hbm>>, %arg6: memref<104x128xi32, #tpu.memory_space<vmem>>, %arg7: memref<104x128xi32, #tpu.memory_space<vmem>>, %arg8: memref<1664x16xf32, #tpu.memory_space<vmem>>, %arg9: memref<!tpu.dma_semaphore, #tpu.memory_space<semaphore_mem>>) attributes {dimension_semantics = [#tpu.dimension_semantics<core_parallel>, #tpu.dimension_semantics<subcore_parallel>], iteration_bounds = array<i64: 2, 16>, scalar_prefetch = 0 : i64, scratch_operands = 4 : i64, tpu.core_type = #tpu.core_type<sc_vector_subcore>, window_params = [{transform_indices = #map}, {transform_indices = #map1}, {transform_indices = #map1}, {transform_indices = #map1}]} {
    %mul3A = arith.constant 2 : i32
    %mul3A_0 = arith.muli %arg1, %mul3A : i32
    %add3A = arith.addi %mul3A_0, %arg0 : i32
    %mul3A_1 = arith.constant 13312 : i32
    %mul3A_2 = arith.muli %add3A, %mul3A_1 : i32
    "tpu.region"() ({
      %run_scoped3A = tpu.sem_alloc : memref<!tpu.dma_semaphore, #tpu.memory_space<semaphore_mem>>
      %dma_start3A = arith.constant 0 : i32
      %dma_start3A_14 = arith.constant 0 : i32
      %dma_start3A_15 = tpu.memref_slice %arg2[%add3A, %dma_start3A, %dma_start3A_14] : memref<32x104x128xi32, #tpu.memory_space<hbm>> -> memref<1x104x128xi32, #tpu.memory_space<hbm>>
      %dma_start3A_16 = tpu.memref_squeeze %dma_start3A_15 : memref<1x104x128xi32, #tpu.memory_space<hbm>> -> memref<104x128xi32, #tpu.memory_space<hbm>>
      %dma_start3A_17 = arith.constant 0 : i32
      %dma_start3A_18 = arith.constant 0 : i32
      %dma_start3A_19 = tpu.memref_slice %arg2[%add3A, %dma_start3A_17, %dma_start3A_18] : memref<32x104x128xi32, #tpu.memory_space<hbm>> -> memref<1x104x128xi32, #tpu.memory_space<hbm>>
      %dma_start3A_20 = tpu.memref_squeeze %dma_start3A_19 : memref<1x104x128xi32, #tpu.memory_space<hbm>> -> memref<104x128xi32, #tpu.memory_space<hbm>>
      tpu.enqueue_dma source(%dma_start3A_20 : memref<104x128xi32, #tpu.memory_space<hbm>>) target(%arg6 : memref<104x128xi32, #tpu.memory_space<vmem>>) target_semaphore(%run_scoped3A : memref<!tpu.dma_semaphore, #tpu.memory_space<semaphore_mem>>)
      %dma_wait3A = arith.constant 0 : i32
      %dma_wait3A_21 = arith.constant 0 : i32
      %dma_wait3A_22 = tpu.memref_slice %arg2[%add3A, %dma_wait3A, %dma_wait3A_21] : memref<32x104x128xi32, #tpu.memory_space<hbm>> -> memref<1x104x128xi32, #tpu.memory_space<hbm>>
      %dma_wait3A_23 = tpu.memref_squeeze %dma_wait3A_22 : memref<1x104x128xi32, #tpu.memory_space<hbm>> -> memref<104x128xi32, #tpu.memory_space<hbm>>
      %dma_wait3A_24 = arith.constant 0 : i32
      %dma_wait3A_25 = arith.constant 0 : i32
      %dma_wait3A_26 = tpu.memref_slice %arg2[%add3A, %dma_wait3A_24, %dma_wait3A_25] : memref<32x104x128xi32, #tpu.memory_space<hbm>> -> memref<1x104x128xi32, #tpu.memory_space<hbm>>
      %dma_wait3A_27 = tpu.memref_squeeze %dma_wait3A_26 : memref<1x104x128xi32, #tpu.memory_space<hbm>> -> memref<104x128xi32, #tpu.memory_space<hbm>>
      tpu.wait_dma2 semaphore(%run_scoped3A : memref<!tpu.dma_semaphore, #tpu.memory_space<semaphore_mem>>) src(%dma_wait3A_27 : memref<104x128xi32, #tpu.memory_space<hbm>>) dst(%arg6 : memref<104x128xi32, #tpu.memory_space<vmem>>)
      tpu.yield
    }) : () -> ()
    "tpu.region"() ({
      %run_scoped3A = tpu.sem_alloc : memref<!tpu.dma_semaphore, #tpu.memory_space<semaphore_mem>>
      tpu.enqueue_dma source(%arg3 : memref<104x128xi32, #tpu.memory_space<hbm>>) target(%arg7 : memref<104x128xi32, #tpu.memory_space<vmem>>) target_semaphore(%run_scoped3A : memref<!tpu.dma_semaphore, #tpu.memory_space<semaphore_mem>>)
      tpu.wait_dma2 semaphore(%run_scoped3A : memref<!tpu.dma_semaphore, #tpu.memory_space<semaphore_mem>>) src(%arg3 : memref<104x128xi32, #tpu.memory_space<hbm>>) dst(%arg7 : memref<104x128xi32, #tpu.memory_space<vmem>>)
      tpu.yield
    }) : () -> ()
    %scan3A = arith.constant 0 : i32
    %scan3A_3 = arith.constant 0 : i32
    %scan3A_4 = arith.constant 832 : i32
    %scan3A_5 = arith.addi %scan3A_3, %scan3A_4 : i32
    %scan3A_6 = arith.constant 1 : i32
    scf.for %scan3A_14 = %scan3A_3 to %scan3A_5 step %scan3A_6  : i32 {
      %jit3A = arith.constant 8 : i32
      %div3A = arith.divsi %scan3A_14, %jit3A : i32
      %sign3A = arith.constant 0 : i32
      %sign3A_15 = arith.cmpi sgt, %scan3A_14, %sign3A : i32
      %sign3A_16 = arith.extui %sign3A_15 : i1 to i32
      %sign3A_17 = arith.constant 0 : i32
      %sign3A_18 = arith.cmpi slt, %scan3A_14, %sign3A_17 : i32
      %sign3A_19 = arith.extui %sign3A_18 : i1 to i32
      %sign3A_20 = arith.subi %sign3A_16, %sign3A_19 : i32
      %sign3A_21 = arith.constant 0 : i32
      %sign3A_22 = arith.cmpi sgt, %jit3A, %sign3A_21 : i32
      %sign3A_23 = arith.extui %sign3A_22 : i1 to i32
      %sign3A_24 = arith.constant 0 : i32
      %sign3A_25 = arith.cmpi slt, %jit3A, %sign3A_24 : i32
      %sign3A_26 = arith.extui %sign3A_25 : i1 to i32
      %sign3A_27 = arith.subi %sign3A_23, %sign3A_26 : i32
      %ne3A = arith.cmpi ne, %sign3A_20, %sign3A_27 : i32
      %rem3A = arith.remsi %scan3A_14, %jit3A : i32
      %ne3A_28 = arith.constant 0 : i32
      %ne3A_29 = arith.cmpi ne, %rem3A, %ne3A_28 : i32
      %and3A = arith.andi %ne3A, %ne3A_29 : i1
      %sub3A = arith.constant 1 : i32
      %sub3A_30 = arith.subi %div3A, %sub3A : i32
      %select_n3A = arith.select %and3A, %sub3A_30, %div3A : i32
      %jit3A_31 = arith.constant 8 : i32
      %eq3A = arith.constant 0 : i32
      %eq3A_32 = arith.cmpi eq, %jit3A_31, %eq3A : i32
      %jit3A_33 = arith.constant 1 : i32
      %select_n3A_34 = arith.select %eq3A_32, %jit3A_33, %jit3A_31 : i32
      %rem3A_35 = arith.remsi %scan3A_14, %select_n3A_34 : i32
      %ne3A_36 = arith.constant 0 : i32
      %ne3A_37 = arith.cmpi ne, %rem3A_35, %ne3A_36 : i32
      %lt3A = arith.constant 0 : i32
      %lt3A_38 = arith.cmpi slt, %rem3A_35, %lt3A : i32
      %lt3A_39 = arith.constant 0 : i32
      %lt3A_40 = arith.cmpi slt, %select_n3A_34, %lt3A_39 : i32
      %ne3A_41 = arith.xori %lt3A_38, %lt3A_40 : i1
      %and3A_42 = arith.andi %ne3A_41, %ne3A_37 : i1
      %add3A_43 = arith.addi %rem3A_35, %select_n3A_34 : i32
      %select_n3A_44 = arith.select %and3A_42, %add3A_43, %rem3A_35 : i32
      %mul3A_45 = arith.constant 16 : i32
      %mul3A_46 = arith.muli %select_n3A_44, %mul3A_45 : i32
      %get3A = arith.index_cast %select_n3A : i32 to index
      %get3A_47 = arith.index_cast %mul3A_46 : i32 to index
      %get3A_48 = tpu.vector_load %arg6[%get3A, %get3A_47] {strides = array<i32>} : memref<104x128xi32, #tpu.memory_space<vmem>>, vector<1x16xi32>,
      %get3A_49 = vector.shape_cast %get3A_48 : vector<1x16xi32> to vector<16xi32>
      %get3A_50 = arith.index_cast %select_n3A : i32 to index
      %get3A_51 = arith.index_cast %mul3A_46 : i32 to index
      %get3A_52 = tpu.vector_load %arg7[%get3A_50, %get3A_51] {strides = array<i32>} : memref<104x128xi32, #tpu.memory_space<vmem>>, vector<1x16xi32>,
      %get3A_53 = vector.shape_cast %get3A_52 : vector<1x16xi32> to vector<16xi32>
      %add3A_54 = arith.addi %get3A_49, %get3A_53 : vector<16xi32>
      %swap3A = arith.index_cast %select_n3A : i32 to index
      %swap3A_55 = arith.index_cast %mul3A_46 : i32 to index
      %swap3A_56 = tpu.vector_load %arg6[%swap3A, %swap3A_55] {strides = array<i32>} : memref<104x128xi32, #tpu.memory_space<vmem>>, vector<1x16xi32>,
      %swap3A_57 = vector.shape_cast %swap3A_56 : vector<1x16xi32> to vector<16xi32>
      %swap3A_58 = vector.shape_cast %add3A_54 : vector<16xi32> to vector<1x16xi32>
      tpu.vector_store %arg6[%swap3A, %swap3A_55], %swap3A_58 {strides = array<i32>} : memref<104x128xi32, #tpu.memory_space<vmem>>, vector<1x16xi32>,
    }
    %scan3A_7 = arith.constant 832 : i32
    %scan3A_8 = arith.constant 0 : i32
    %scan3A_9 = arith.constant 0 : i32
    %scan3A_10 = arith.constant 8 : i32
    %scan3A_11 = arith.addi %scan3A_9, %scan3A_10 : i32
    %scan3A_12 = arith.constant 1 : i32
    scf.for %scan3A_14 = %scan3A_9 to %scan3A_11 step %scan3A_12  : i32 {
      %mul3A_15 = arith.constant 13 : i32
      %mul3A_16 = arith.muli %scan3A_14, %mul3A_15 : i32
      %add3A_17 = arith.constant 0 : i32
      %add3A_18 = arith.addi %mul3A_16, %add3A_17 : i32
      %mul3A_19 = arith.constant 13 : i32
      %mul3A_20 = arith.muli %scan3A_14, %mul3A_19 : i32
      %add3A_21 = arith.constant 1 : i32
      %add3A_22 = arith.addi %mul3A_20, %add3A_21 : i32
      %mul3A_23 = arith.constant 13 : i32
      %mul3A_24 = arith.muli %scan3A_14, %mul3A_23 : i32
      %add3A_25 = arith.constant 2 : i32
      %add3A_26 = arith.addi %mul3A_24, %add3A_25 : i32
      %mul3A_27 = arith.constant 13 : i32
      %mul3A_28 = arith.muli %scan3A_14, %mul3A_27 : i32
      %add3A_29 = arith.constant 3 : i32
      %add3A_30 = arith.addi %mul3A_28, %add3A_29 : i32
      %mul3A_31 = arith.constant 13 : i32
      %mul3A_32 = arith.muli %scan3A_14, %mul3A_31 : i32
      %add3A_33 = arith.constant 4 : i32
      %add3A_34 = arith.addi %mul3A_32, %add3A_33 : i32
      %mul3A_35 = arith.constant 13 : i32
      %mul3A_36 = arith.muli %scan3A_14, %mul3A_35 : i32
      %add3A_37 = arith.constant 5 : i32
      %add3A_38 = arith.addi %mul3A_36, %add3A_37 : i32
      %mul3A_39 = arith.constant 13 : i32
      %mul3A_40 = arith.muli %scan3A_14, %mul3A_39 : i32
      %add3A_41 = arith.constant 6 : i32
      %add3A_42 = arith.addi %mul3A_40, %add3A_41 : i32
      %mul3A_43 = arith.constant 13 : i32
      %mul3A_44 = arith.muli %scan3A_14, %mul3A_43 : i32
      %add3A_45 = arith.constant 7 : i32
      %add3A_46 = arith.addi %mul3A_44, %add3A_45 : i32
      %mul3A_47 = arith.constant 13 : i32
      %mul3A_48 = arith.muli %scan3A_14, %mul3A_47 : i32
      %add3A_49 = arith.constant 8 : i32
      %add3A_50 = arith.addi %mul3A_48, %add3A_49 : i32
      %mul3A_51 = arith.constant 13 : i32
      %mul3A_52 = arith.muli %scan3A_14, %mul3A_51 : i32
      %add3A_53 = arith.constant 9 : i32
      %add3A_54 = arith.addi %mul3A_52, %add3A_53 : i32
      %mul3A_55 = arith.constant 13 : i32
      %mul3A_56 = arith.muli %scan3A_14, %mul3A_55 : i32
      %add3A_57 = arith.constant 10 : i32
      %add3A_58 = arith.addi %mul3A_56, %add3A_57 : i32
      %mul3A_59 = arith.constant 13 : i32
      %mul3A_60 = arith.muli %scan3A_14, %mul3A_59 : i32
      %add3A_61 = arith.constant 11 : i32
      %add3A_62 = arith.addi %mul3A_60, %add3A_61 : i32
      %mul3A_63 = arith.constant 13 : i32
      %mul3A_64 = arith.muli %scan3A_14, %mul3A_63 : i32
      %add3A_65 = arith.constant 12 : i32
      %add3A_66 = arith.addi %mul3A_64, %add3A_65 : i32
      %dma_start3A = arith.constant 0 : i32
      %dma_start3A_67 = arith.constant 0 : i32
      %dma_start3A_68 = tpu.memref_slice %arg8[%dma_start3A, %dma_start3A_67] : memref<1664x16xf32, #tpu.memory_space<vmem>> -> memref<128x16xf32, #tpu.memory_space<vmem>>
      %dma_start3A_69 = arith.constant 0 : i32
      %dma_start3A_70 = tpu.memref_slice %arg6[%add3A_18, %dma_start3A_69] : memref<104x128xi32, #tpu.memory_space<vmem>> -> memref<1x128xi32, #tpu.memory_space<vmem>>
      %dma_start3A_71 = tpu.memref_squeeze %dma_start3A_70 : memref<1x128xi32, #tpu.memory_space<vmem>> -> memref<128xi32, #tpu.memory_space<vmem>>
      %dma_start3A_72 = arith.constant 0 : i32
      %dma_start3A_73 = arith.constant 0 : i32
      %dma_start3A_74 = tpu.memref_slice %arg4[%dma_start3A_72, %dma_start3A_73] : memref<2600000x16xf32, #tpu.memory_space<hbm>> -> memref<2600000x16xf32, #tpu.memory_space<hbm>>
      tpu.enqueue_indirect_dma source(%dma_start3A_74 : memref<2600000x16xf32, #tpu.memory_space<hbm>>) target(%dma_start3A_68 : memref<128x16xf32, #tpu.memory_space<vmem>>) offsets(%dma_start3A_71 : memref<128xi32, #tpu.memory_space<vmem>>) semaphore(%arg9 : memref<!tpu.dma_semaphore, #tpu.memory_space<semaphore_mem>>)
      %dma_start3A_75 = arith.constant 128 : i32
      %dma_start3A_76 = arith.constant 0 : i32
      %dma_start3A_77 = tpu.memref_slice %arg8[%dma_start3A_75, %dma_start3A_76] : memref<1664x16xf32, #tpu.memory_space<vmem>> -> memref<128x16xf32, #tpu.memory_space<vmem>>
      %dma_start3A_78 = arith.constant 0 : i32
      %dma_start3A_79 = tpu.memref_slice %arg6[%add3A_22, %dma_start3A_78] : memref<104x128xi32, #tpu.memory_space<vmem>> -> memref<1x128xi32, #tpu.memory_space<vmem>>
      %dma_start3A_80 = tpu.memref_squeeze %dma_start3A_79 : memref<1x128xi32, #tpu.memory_space<vmem>> -> memref<128xi32, #tpu.memory_space<vmem>>
      %dma_start3A_81 = arith.constant 0 : i32
      %dma_start3A_82 = arith.constant 0 : i32
      %dma_start3A_83 = tpu.memref_slice %arg4[%dma_start3A_81, %dma_start3A_82] : memref<2600000x16xf32, #tpu.memory_space<hbm>> -> memref<2600000x16xf32, #tpu.memory_space<hbm>>
      tpu.enqueue_indirect_dma source(%dma_start3A_83 : memref<2600000x16xf32, #tpu.memory_space<hbm>>) target(%dma_start3A_77 : memref<128x16xf32, #tpu.memory_space<vmem>>) offsets(%dma_start3A_80 : memref<128xi32, #tpu.memory_space<vmem>>) semaphore(%arg9 : memref<!tpu.dma_semaphore, #tpu.memory_space<semaphore_mem>>)
      %dma_start3A_84 = arith.constant 256 : i32
      %dma_start3A_85 = arith.constant 0 : i32
      %dma_start3A_86 = tpu.memref_slice %arg8[%dma_start3A_84, %dma_start3A_85] : memref<1664x16xf32, #tpu.memory_space<vmem>> -> memref<128x16xf32, #tpu.memory_space<vmem>>
      %dma_start3A_87 = arith.constant 0 : i32
      %dma_start3A_88 = tpu.memref_slice %arg6[%add3A_26, %dma_start3A_87] : memref<104x128xi32, #tpu.memory_space<vmem>> -> memref<1x128xi32, #tpu.memory_space<vmem>>
      %dma_start3A_89 = tpu.memref_squeeze %dma_start3A_88 : memref<1x128xi32, #tpu.memory_space<vmem>> -> memref<128xi32, #tpu.memory_space<vmem>>
      %dma_start3A_90 = arith.constant 0 : i32
      %dma_start3A_91 = arith.constant 0 : i32
      %dma_start3A_92 = tpu.memref_slice %arg4[%dma_start3A_90, %dma_start3A_91] : memref<2600000x16xf32, #tpu.memory_space<hbm>> -> memref<2600000x16xf32, #tpu.memory_space<hbm>>
      tpu.enqueue_indirect_dma source(%dma_start3A_92 : memref<2600000x16xf32, #tpu.memory_space<hbm>>) target(%dma_start3A_86 : memref<128x16xf32, #tpu.memory_space<vmem>>) offsets(%dma_start3A_89 : memref<128xi32, #tpu.memory_space<vmem>>) semaphore(%arg9 : memref<!tpu.dma_semaphore, #tpu.memory_space<semaphore_mem>>)
      %dma_start3A_93 = arith.constant 384 : i32
      %dma_start3A_94 = arith.constant 0 : i32
      %dma_start3A_95 = tpu.memref_slice %arg8[%dma_start3A_93, %dma_start3A_94] : memref<1664x16xf32, #tpu.memory_space<vmem>> -> memref<128x16xf32, #tpu.memory_space<vmem>>
      %dma_start3A_96 = arith.constant 0 : i32
      %dma_start3A_97 = tpu.memref_slice %arg6[%add3A_30, %dma_start3A_96] : memref<104x128xi32, #tpu.memory_space<vmem>> -> memref<1x128xi32, #tpu.memory_space<vmem>>
      %dma_start3A_98 = tpu.memref_squeeze %dma_start3A_97 : memref<1x128xi32, #tpu.memory_space<vmem>> -> memref<128xi32, #tpu.memory_space<vmem>>
      %dma_start3A_99 = arith.constant 0 : i32
      %dma_start3A_100 = arith.constant 0 : i32
      %dma_start3A_101 = tpu.memref_slice %arg4[%dma_start3A_99, %dma_start3A_100] : memref<2600000x16xf32, #tpu.memory_space<hbm>> -> memref<2600000x16xf32, #tpu.memory_space<hbm>>
      tpu.enqueue_indirect_dma source(%dma_start3A_101 : memref<2600000x16xf32, #tpu.memory_space<hbm>>) target(%dma_start3A_95 : memref<128x16xf32, #tpu.memory_space<vmem>>) offsets(%dma_start3A_98 : memref<128xi32, #tpu.memory_space<vmem>>) semaphore(%arg9 : memref<!tpu.dma_semaphore, #tpu.memory_space<semaphore_mem>>)
      %dma_start3A_102 = arith.constant 512 : i32
      %dma_start3A_103 = arith.constant 0 : i32
      %dma_start3A_104 = tpu.memref_slice %arg8[%dma_start3A_102, %dma_start3A_103] : memref<1664x16xf32, #tpu.memory_space<vmem>> -> memref<128x16xf32, #tpu.memory_space<vmem>>
      %dma_start3A_105 = arith.constant 0 : i32
      %dma_start3A_106 = tpu.memref_slice %arg6[%add3A_34, %dma_start3A_105] : memref<104x128xi32, #tpu.memory_space<vmem>> -> memref<1x128xi32, #tpu.memory_space<vmem>>
      %dma_start3A_107 = tpu.memref_squeeze %dma_start3A_106 : memref<1x128xi32, #tpu.memory_space<vmem>> -> memref<128xi32, #tpu.memory_space<vmem>>
      %dma_start3A_108 = arith.constant 0 : i32
      %dma_start3A_109 = arith.constant 0 : i32
      %dma_start3A_110 = tpu.memref_slice %arg4[%dma_start3A_108, %dma_start3A_109] : memref<2600000x16xf32, #tpu.memory_space<hbm>> -> memref<2600000x16xf32, #tpu.memory_space<hbm>>
      tpu.enqueue_indirect_dma source(%dma_start3A_110 : memref<2600000x16xf32, #tpu.memory_space<hbm>>) target(%dma_start3A_104 : memref<128x16xf32, #tpu.memory_space<vmem>>) offsets(%dma_start3A_107 : memref<128xi32, #tpu.memory_space<vmem>>) semaphore(%arg9 : memref<!tpu.dma_semaphore, #tpu.memory_space<semaphore_mem>>)
      %dma_start3A_111 = arith.constant 640 : i32
      %dma_start3A_112 = arith.constant 0 : i32
      %dma_start3A_113 = tpu.memref_slice %arg8[%dma_start3A_111, %dma_start3A_112] : memref<1664x16xf32, #tpu.memory_space<vmem>> -> memref<128x16xf32, #tpu.memory_space<vmem>>
      %dma_start3A_114 = arith.constant 0 : i32
      %dma_start3A_115 = tpu.memref_slice %arg6[%add3A_38, %dma_start3A_114] : memref<104x128xi32, #tpu.memory_space<vmem>> -> memref<1x128xi32, #tpu.memory_space<vmem>>
      %dma_start3A_116 = tpu.memref_squeeze %dma_start3A_115 : memref<1x128xi32, #tpu.memory_space<vmem>> -> memref<128xi32, #tpu.memory_space<vmem>>
      %dma_start3A_117 = arith.constant 0 : i32
      %dma_start3A_118 = arith.constant 0 : i32
      %dma_start3A_119 = tpu.memref_slice %arg4[%dma_start3A_117, %dma_start3A_118] : memref<2600000x16xf32, #tpu.memory_space<hbm>> -> memref<2600000x16xf32, #tpu.memory_space<hbm>>
      tpu.enqueue_indirect_dma source(%dma_start3A_119 : memref<2600000x16xf32, #tpu.memory_space<hbm>>) target(%dma_start3A_113 : memref<128x16xf32, #tpu.memory_space<vmem>>) offsets(%dma_start3A_116 : memref<128xi32, #tpu.memory_space<vmem>>) semaphore(%arg9 : memref<!tpu.dma_semaphore, #tpu.memory_space<semaphore_mem>>)
      %dma_start3A_120 = arith.constant 768 : i32
      %dma_start3A_121 = arith.constant 0 : i32
      %dma_start3A_122 = tpu.memref_slice %arg8[%dma_start3A_120, %dma_start3A_121] : memref<1664x16xf32, #tpu.memory_space<vmem>> -> memref<128x16xf32, #tpu.memory_space<vmem>>
      %dma_start3A_123 = arith.constant 0 : i32
      %dma_start3A_124 = tpu.memref_slice %arg6[%add3A_42, %dma_start3A_123] : memref<104x128xi32, #tpu.memory_space<vmem>> -> memref<1x128xi32, #tpu.memory_space<vmem>>
      %dma_start3A_125 = tpu.memref_squeeze %dma_start3A_124 : memref<1x128xi32, #tpu.memory_space<vmem>> -> memref<128xi32, #tpu.memory_space<vmem>>
      %dma_start3A_126 = arith.constant 0 : i32
      %dma_start3A_127 = arith.constant 0 : i32
      %dma_start3A_128 = tpu.memref_slice %arg4[%dma_start3A_126, %dma_start3A_127] : memref<2600000x16xf32, #tpu.memory_space<hbm>> -> memref<2600000x16xf32, #tpu.memory_space<hbm>>
      tpu.enqueue_indirect_dma source(%dma_start3A_128 : memref<2600000x16xf32, #tpu.memory_space<hbm>>) target(%dma_start3A_122 : memref<128x16xf32, #tpu.memory_space<vmem>>) offsets(%dma_start3A_125 : memref<128xi32, #tpu.memory_space<vmem>>) semaphore(%arg9 : memref<!tpu.dma_semaphore, #tpu.memory_space<semaphore_mem>>)
      %dma_start3A_129 = arith.constant 896 : i32
      %dma_start3A_130 = arith.constant 0 : i32
      %dma_start3A_131 = tpu.memref_slice %arg8[%dma_start3A_129, %dma_start3A_130] : memref<1664x16xf32, #tpu.memory_space<vmem>> -> memref<128x16xf32, #tpu.memory_space<vmem>>
      %dma_start3A_132 = arith.constant 0 : i32
      %dma_start3A_133 = tpu.memref_slice %arg6[%add3A_46, %dma_start3A_132] : memref<104x128xi32, #tpu.memory_space<vmem>> -> memref<1x128xi32, #tpu.memory_space<vmem>>
      %dma_start3A_134 = tpu.memref_squeeze %dma_start3A_133 : memref<1x128xi32, #tpu.memory_space<vmem>> -> memref<128xi32, #tpu.memory_space<vmem>>
      %dma_start3A_135 = arith.constant 0 : i32
      %dma_start3A_136 = arith.constant 0 : i32
      %dma_start3A_137 = tpu.memref_slice %arg4[%dma_start3A_135, %dma_start3A_136] : memref<2600000x16xf32, #tpu.memory_space<hbm>> -> memref<2600000x16xf32, #tpu.memory_space<hbm>>
      tpu.enqueue_indirect_dma source(%dma_start3A_137 : memref<2600000x16xf32, #tpu.memory_space<hbm>>) target(%dma_start3A_131 : memref<128x16xf32, #tpu.memory_space<vmem>>) offsets(%dma_start3A_134 : memref<128xi32, #tpu.memory_space<vmem>>) semaphore(%arg9 : memref<!tpu.dma_semaphore, #tpu.memory_space<semaphore_mem>>)
      %dma_start3A_138 = arith.constant 1024 : i32
      %dma_start3A_139 = arith.constant 0 : i32
      %dma_start3A_140 = tpu.memref_slice %arg8[%dma_start3A_138, %dma_start3A_139] : memref<1664x16xf32, #tpu.memory_space<vmem>> -> memref<128x16xf32, #tpu.memory_space<vmem>>
      %dma_start3A_141 = arith.constant 0 : i32
      %dma_start3A_142 = tpu.memref_slice %arg6[%add3A_50, %dma_start3A_141] : memref<104x128xi32, #tpu.memory_space<vmem>> -> memref<1x128xi32, #tpu.memory_space<vmem>>
      %dma_start3A_143 = tpu.memref_squeeze %dma_start3A_142 : memref<1x128xi32, #tpu.memory_space<vmem>> -> memref<128xi32, #tpu.memory_space<vmem>>
      %dma_start3A_144 = arith.constant 0 : i32
      %dma_start3A_145 = arith.constant 0 : i32
      %dma_start3A_146 = tpu.memref_slice %arg4[%dma_start3A_144, %dma_start3A_145] : memref<2600000x16xf32, #tpu.memory_space<hbm>> -> memref<2600000x16xf32, #tpu.memory_space<hbm>>
      tpu.enqueue_indirect_dma source(%dma_start3A_146 : memref<2600000x16xf32, #tpu.memory_space<hbm>>) target(%dma_start3A_140 : memref<128x16xf32, #tpu.memory_space<vmem>>) offsets(%dma_start3A_143 : memref<128xi32, #tpu.memory_space<vmem>>) semaphore(%arg9 : memref<!tpu.dma_semaphore, #tpu.memory_space<semaphore_mem>>)
      %dma_start3A_147 = arith.constant 1152 : i32
      %dma_start3A_148 = arith.constant 0 : i32
      %dma_start3A_149 = tpu.memref_slice %arg8[%dma_start3A_147, %dma_start3A_148] : memref<1664x16xf32, #tpu.memory_space<vmem>> -> memref<128x16xf32, #tpu.memory_space<vmem>>
      %dma_start3A_150 = arith.constant 0 : i32
      %dma_start3A_151 = tpu.memref_slice %arg6[%add3A_54, %dma_start3A_150] : memref<104x128xi32, #tpu.memory_space<vmem>> -> memref<1x128xi32, #tpu.memory_space<vmem>>
      %dma_start3A_152 = tpu.memref_squeeze %dma_start3A_151 : memref<1x128xi32, #tpu.memory_space<vmem>> -> memref<128xi32, #tpu.memory_space<vmem>>
      %dma_start3A_153 = arith.constant 0 : i32
      %dma_start3A_154 = arith.constant 0 : i32
      %dma_start3A_155 = tpu.memref_slice %arg4[%dma_start3A_153, %dma_start3A_154] : memref<2600000x16xf32, #tpu.memory_space<hbm>> -> memref<2600000x16xf32, #tpu.memory_space<hbm>>
      tpu.enqueue_indirect_dma source(%dma_start3A_155 : memref<2600000x16xf32, #tpu.memory_space<hbm>>) target(%dma_start3A_149 : memref<128x16xf32, #tpu.memory_space<vmem>>) offsets(%dma_start3A_152 : memref<128xi32, #tpu.memory_space<vmem>>) semaphore(%arg9 : memref<!tpu.dma_semaphore, #tpu.memory_space<semaphore_mem>>)
      %dma_start3A_156 = arith.constant 1280 : i32
      %dma_start3A_157 = arith.constant 0 : i32
      %dma_start3A_158 = tpu.memref_slice %arg8[%dma_start3A_156, %dma_start3A_157] : memref<1664x16xf32, #tpu.memory_space<vmem>> -> memref<128x16xf32, #tpu.memory_space<vmem>>
      %dma_start3A_159 = arith.constant 0 : i32
      %dma_start3A_160 = tpu.memref_slice %arg6[%add3A_58, %dma_start3A_159] : memref<104x128xi32, #tpu.memory_space<vmem>> -> memref<1x128xi32, #tpu.memory_space<vmem>>
      %dma_start3A_161 = tpu.memref_squeeze %dma_start3A_160 : memref<1x128xi32, #tpu.memory_space<vmem>> -> memref<128xi32, #tpu.memory_space<vmem>>
      %dma_start3A_162 = arith.constant 0 : i32
      %dma_start3A_163 = arith.constant 0 : i32
      %dma_start3A_164 = tpu.memref_slice %arg4[%dma_start3A_162, %dma_start3A_163] : memref<2600000x16xf32, #tpu.memory_space<hbm>> -> memref<2600000x16xf32, #tpu.memory_space<hbm>>
      tpu.enqueue_indirect_dma source(%dma_start3A_164 : memref<2600000x16xf32, #tpu.memory_space<hbm>>) target(%dma_start3A_158 : memref<128x16xf32, #tpu.memory_space<vmem>>) offsets(%dma_start3A_161 : memref<128xi32, #tpu.memory_space<vmem>>) semaphore(%arg9 : memref<!tpu.dma_semaphore, #tpu.memory_space<semaphore_mem>>)
      %dma_start3A_165 = arith.constant 1408 : i32
      %dma_start3A_166 = arith.constant 0 : i32
      %dma_start3A_167 = tpu.memref_slice %arg8[%dma_start3A_165, %dma_start3A_166] : memref<1664x16xf32, #tpu.memory_space<vmem>> -> memref<128x16xf32, #tpu.memory_space<vmem>>
      %dma_start3A_168 = arith.constant 0 : i32
      %dma_start3A_169 = tpu.memref_slice %arg6[%add3A_62, %dma_start3A_168] : memref<104x128xi32, #tpu.memory_space<vmem>> -> memref<1x128xi32, #tpu.memory_space<vmem>>
      %dma_start3A_170 = tpu.memref_squeeze %dma_start3A_169 : memref<1x128xi32, #tpu.memory_space<vmem>> -> memref<128xi32, #tpu.memory_space<vmem>>
      %dma_start3A_171 = arith.constant 0 : i32
      %dma_start3A_172 = arith.constant 0 : i32
      %dma_start3A_173 = tpu.memref_slice %arg4[%dma_start3A_171, %dma_start3A_172] : memref<2600000x16xf32, #tpu.memory_space<hbm>> -> memref<2600000x16xf32, #tpu.memory_space<hbm>>
      tpu.enqueue_indirect_dma source(%dma_start3A_173 : memref<2600000x16xf32, #tpu.memory_space<hbm>>) target(%dma_start3A_167 : memref<128x16xf32, #tpu.memory_space<vmem>>) offsets(%dma_start3A_170 : memref<128xi32, #tpu.memory_space<vmem>>) semaphore(%arg9 : memref<!tpu.dma_semaphore, #tpu.memory_space<semaphore_mem>>)
      %dma_start3A_174 = arith.constant 1536 : i32
      %dma_start3A_175 = arith.constant 0 : i32
      %dma_start3A_176 = tpu.memref_slice %arg8[%dma_start3A_174, %dma_start3A_175] : memref<1664x16xf32, #tpu.memory_space<vmem>> -> memref<128x16xf32, #tpu.memory_space<vmem>>
      %dma_start3A_177 = arith.constant 0 : i32
      %dma_start3A_178 = tpu.memref_slice %arg6[%add3A_66, %dma_start3A_177] : memref<104x128xi32, #tpu.memory_space<vmem>> -> memref<1x128xi32, #tpu.memory_space<vmem>>
      %dma_start3A_179 = tpu.memref_squeeze %dma_start3A_178 : memref<1x128xi32, #tpu.memory_space<vmem>> -> memref<128xi32, #tpu.memory_space<vmem>>
      %dma_start3A_180 = arith.constant 0 : i32
      %dma_start3A_181 = arith.constant 0 : i32
      %dma_start3A_182 = tpu.memref_slice %arg4[%dma_start3A_180, %dma_start3A_181] : memref<2600000x16xf32, #tpu.memory_space<hbm>> -> memref<2600000x16xf32, #tpu.memory_space<hbm>>
      tpu.enqueue_indirect_dma source(%dma_start3A_182 : memref<2600000x16xf32, #tpu.memory_space<hbm>>) target(%dma_start3A_176 : memref<128x16xf32, #tpu.memory_space<vmem>>) offsets(%dma_start3A_179 : memref<128xi32, #tpu.memory_space<vmem>>) semaphore(%arg9 : memref<!tpu.dma_semaphore, #tpu.memory_space<semaphore_mem>>)
      %dma_wait3A = arith.constant 0 : i32
      %dma_wait3A_183 = arith.constant 0 : i32
      %dma_wait3A_184 = tpu.memref_slice %arg8[%dma_wait3A, %dma_wait3A_183] : memref<1664x16xf32, #tpu.memory_space<vmem>> -> memref<128x16xf32, #tpu.memory_space<vmem>>
      %dma_wait3A_185 = arith.constant 0 : i32
      %dma_wait3A_186 = tpu.memref_slice %arg6[%add3A_18, %dma_wait3A_185] : memref<104x128xi32, #tpu.memory_space<vmem>> -> memref<1x128xi32, #tpu.memory_space<vmem>>
      %dma_wait3A_187 = tpu.memref_squeeze %dma_wait3A_186 : memref<1x128xi32, #tpu.memory_space<vmem>> -> memref<128xi32, #tpu.memory_space<vmem>>
      %dma_wait3A_188 = arith.constant 0 : i32
      %dma_wait3A_189 = arith.constant 0 : i32
      %dma_wait3A_190 = tpu.memref_slice %arg4[%dma_wait3A_188, %dma_wait3A_189] : memref<2600000x16xf32, #tpu.memory_space<hbm>> -> memref<2600000x16xf32, #tpu.memory_space<hbm>>
      tpu.wait_indirect_dma semaphore(%arg9 : memref<!tpu.dma_semaphore, #tpu.memory_space<semaphore_mem>>) src(%dma_wait3A_190 : memref<2600000x16xf32, #tpu.memory_space<hbm>>) dst(%dma_wait3A_184 : memref<128x16xf32, #tpu.memory_space<vmem>>)
      %dma_wait3A_191 = arith.constant 128 : i32
      %dma_wait3A_192 = arith.constant 0 : i32
      %dma_wait3A_193 = tpu.memref_slice %arg8[%dma_wait3A_191, %dma_wait3A_192] : memref<1664x16xf32, #tpu.memory_space<vmem>> -> memref<128x16xf32, #tpu.memory_space<vmem>>
      %dma_wait3A_194 = arith.constant 0 : i32
      %dma_wait3A_195 = tpu.memref_slice %arg6[%add3A_22, %dma_wait3A_194] : memref<104x128xi32, #tpu.memory_space<vmem>> -> memref<1x128xi32, #tpu.memory_space<vmem>>
      %dma_wait3A_196 = tpu.memref_squeeze %dma_wait3A_195 : memref<1x128xi32, #tpu.memory_space<vmem>> -> memref<128xi32, #tpu.memory_space<vmem>>
      %dma_wait3A_197 = arith.constant 0 : i32
      %dma_wait3A_198 = arith.constant 0 : i32
      %dma_wait3A_199 = tpu.memref_slice %arg4[%dma_wait3A_197, %dma_wait3A_198] : memref<2600000x16xf32, #tpu.memory_space<hbm>> -> memref<2600000x16xf32, #tpu.memory_space<hbm>>
      tpu.wait_indirect_dma semaphore(%arg9 : memref<!tpu.dma_semaphore, #tpu.memory_space<semaphore_mem>>) src(%dma_wait3A_199 : memref<2600000x16xf32, #tpu.memory_space<hbm>>) dst(%dma_wait3A_193 : memref<128x16xf32, #tpu.memory_space<vmem>>)
      %dma_wait3A_200 = arith.constant 256 : i32
      %dma_wait3A_201 = arith.constant 0 : i32
      %dma_wait3A_202 = tpu.memref_slice %arg8[%dma_wait3A_200, %dma_wait3A_201] : memref<1664x16xf32, #tpu.memory_space<vmem>> -> memref<128x16xf32, #tpu.memory_space<vmem>>
      %dma_wait3A_203 = arith.constant 0 : i32
      %dma_wait3A_204 = tpu.memref_slice %arg6[%add3A_26, %dma_wait3A_203] : memref<104x128xi32, #tpu.memory_space<vmem>> -> memref<1x128xi32, #tpu.memory_space<vmem>>
      %dma_wait3A_205 = tpu.memref_squeeze %dma_wait3A_204 : memref<1x128xi32, #tpu.memory_space<vmem>> -> memref<128xi32, #tpu.memory_space<vmem>>
      %dma_wait3A_206 = arith.constant 0 : i32
      %dma_wait3A_207 = arith.constant 0 : i32
      %dma_wait3A_208 = tpu.memref_slice %arg4[%dma_wait3A_206, %dma_wait3A_207] : memref<2600000x16xf32, #tpu.memory_space<hbm>> -> memref<2600000x16xf32, #tpu.memory_space<hbm>>
      tpu.wait_indirect_dma semaphore(%arg9 : memref<!tpu.dma_semaphore, #tpu.memory_space<semaphore_mem>>) src(%dma_wait3A_208 : memref<2600000x16xf32, #tpu.memory_space<hbm>>) dst(%dma_wait3A_202 : memref<128x16xf32, #tpu.memory_space<vmem>>)
      %dma_wait3A_209 = arith.constant 384 : i32
      %dma_wait3A_210 = arith.constant 0 : i32
      %dma_wait3A_211 = tpu.memref_slice %arg8[%dma_wait3A_209, %dma_wait3A_210] : memref<1664x16xf32, #tpu.memory_space<vmem>> -> memref<128x16xf32, #tpu.memory_space<vmem>>
      %dma_wait3A_212 = arith.constant 0 : i32
      %dma_wait3A_213 = tpu.memref_slice %arg6[%add3A_30, %dma_wait3A_212] : memref<104x128xi32, #tpu.memory_space<vmem>> -> memref<1x128xi32, #tpu.memory_space<vmem>>
      %dma_wait3A_214 = tpu.memref_squeeze %dma_wait3A_213 : memref<1x128xi32, #tpu.memory_space<vmem>> -> memref<128xi32, #tpu.memory_space<vmem>>
      %dma_wait3A_215 = arith.constant 0 : i32
      %dma_wait3A_216 = arith.constant 0 : i32
      %dma_wait3A_217 = tpu.memref_slice %arg4[%dma_wait3A_215, %dma_wait3A_216] : memref<2600000x16xf32, #tpu.memory_space<hbm>> -> memref<2600000x16xf32, #tpu.memory_space<hbm>>
      tpu.wait_indirect_dma semaphore(%arg9 : memref<!tpu.dma_semaphore, #tpu.memory_space<semaphore_mem>>) src(%dma_wait3A_217 : memref<2600000x16xf32, #tpu.memory_space<hbm>>) dst(%dma_wait3A_211 : memref<128x16xf32, #tpu.memory_space<vmem>>)
      %dma_wait3A_218 = arith.constant 512 : i32
      %dma_wait3A_219 = arith.constant 0 : i32
      %dma_wait3A_220 = tpu.memref_slice %arg8[%dma_wait3A_218, %dma_wait3A_219] : memref<1664x16xf32, #tpu.memory_space<vmem>> -> memref<128x16xf32, #tpu.memory_space<vmem>>
      %dma_wait3A_221 = arith.constant 0 : i32
      %dma_wait3A_222 = tpu.memref_slice %arg6[%add3A_34, %dma_wait3A_221] : memref<104x128xi32, #tpu.memory_space<vmem>> -> memref<1x128xi32, #tpu.memory_space<vmem>>
      %dma_wait3A_223 = tpu.memref_squeeze %dma_wait3A_222 : memref<1x128xi32, #tpu.memory_space<vmem>> -> memref<128xi32, #tpu.memory_space<vmem>>
      %dma_wait3A_224 = arith.constant 0 : i32
      %dma_wait3A_225 = arith.constant 0 : i32
      %dma_wait3A_226 = tpu.memref_slice %arg4[%dma_wait3A_224, %dma_wait3A_225] : memref<2600000x16xf32, #tpu.memory_space<hbm>> -> memref<2600000x16xf32, #tpu.memory_space<hbm>>
      tpu.wait_indirect_dma semaphore(%arg9 : memref<!tpu.dma_semaphore, #tpu.memory_space<semaphore_mem>>) src(%dma_wait3A_226 : memref<2600000x16xf32, #tpu.memory_space<hbm>>) dst(%dma_wait3A_220 : memref<128x16xf32, #tpu.memory_space<vmem>>)
      %dma_wait3A_227 = arith.constant 640 : i32
      %dma_wait3A_228 = arith.constant 0 : i32
      %dma_wait3A_229 = tpu.memref_slice %arg8[%dma_wait3A_227, %dma_wait3A_228] : memref<1664x16xf32, #tpu.memory_space<vmem>> -> memref<128x16xf32, #tpu.memory_space<vmem>>
      %dma_wait3A_230 = arith.constant 0 : i32
      %dma_wait3A_231 = tpu.memref_slice %arg6[%add3A_38, %dma_wait3A_230] : memref<104x128xi32, #tpu.memory_space<vmem>> -> memref<1x128xi32, #tpu.memory_space<vmem>>
      %dma_wait3A_232 = tpu.memref_squeeze %dma_wait3A_231 : memref<1x128xi32, #tpu.memory_space<vmem>> -> memref<128xi32, #tpu.memory_space<vmem>>
      %dma_wait3A_233 = arith.constant 0 : i32
      %dma_wait3A_234 = arith.constant 0 : i32
      %dma_wait3A_235 = tpu.memref_slice %arg4[%dma_wait3A_233, %dma_wait3A_234] : memref<2600000x16xf32, #tpu.memory_space<hbm>> -> memref<2600000x16xf32, #tpu.memory_space<hbm>>
      tpu.wait_indirect_dma semaphore(%arg9 : memref<!tpu.dma_semaphore, #tpu.memory_space<semaphore_mem>>) src(%dma_wait3A_235 : memref<2600000x16xf32, #tpu.memory_space<hbm>>) dst(%dma_wait3A_229 : memref<128x16xf32, #tpu.memory_space<vmem>>)
      %dma_wait3A_236 = arith.constant 768 : i32
      %dma_wait3A_237 = arith.constant 0 : i32
      %dma_wait3A_238 = tpu.memref_slice %arg8[%dma_wait3A_236, %dma_wait3A_237] : memref<1664x16xf32, #tpu.memory_space<vmem>> -> memref<128x16xf32, #tpu.memory_space<vmem>>
      %dma_wait3A_239 = arith.constant 0 : i32
      %dma_wait3A_240 = tpu.memref_slice %arg6[%add3A_42, %dma_wait3A_239] : memref<104x128xi32, #tpu.memory_space<vmem>> -> memref<1x128xi32, #tpu.memory_space<vmem>>
      %dma_wait3A_241 = tpu.memref_squeeze %dma_wait3A_240 : memref<1x128xi32, #tpu.memory_space<vmem>> -> memref<128xi32, #tpu.memory_space<vmem>>
      %dma_wait3A_242 = arith.constant 0 : i32
      %dma_wait3A_243 = arith.constant 0 : i32
      %dma_wait3A_244 = tpu.memref_slice %arg4[%dma_wait3A_242, %dma_wait3A_243] : memref<2600000x16xf32, #tpu.memory_space<hbm>> -> memref<2600000x16xf32, #tpu.memory_space<hbm>>
      tpu.wait_indirect_dma semaphore(%arg9 : memref<!tpu.dma_semaphore, #tpu.memory_space<semaphore_mem>>) src(%dma_wait3A_244 : memref<2600000x16xf32, #tpu.memory_space<hbm>>) dst(%dma_wait3A_238 : memref<128x16xf32, #tpu.memory_space<vmem>>)
      %dma_wait3A_245 = arith.constant 896 : i32
      %dma_wait3A_246 = arith.constant 0 : i32
      %dma_wait3A_247 = tpu.memref_slice %arg8[%dma_wait3A_245, %dma_wait3A_246] : memref<1664x16xf32, #tpu.memory_space<vmem>> -> memref<128x16xf32, #tpu.memory_space<vmem>>
      %dma_wait3A_248 = arith.constant 0 : i32
      %dma_wait3A_249 = tpu.memref_slice %arg6[%add3A_46, %dma_wait3A_248] : memref<104x128xi32, #tpu.memory_space<vmem>> -> memref<1x128xi32, #tpu.memory_space<vmem>>
      %dma_wait3A_250 = tpu.memref_squeeze %dma_wait3A_249 : memref<1x128xi32, #tpu.memory_space<vmem>> -> memref<128xi32, #tpu.memory_space<vmem>>
      %dma_wait3A_251 = arith.constant 0 : i32
      %dma_wait3A_252 = arith.constant 0 : i32
      %dma_wait3A_253 = tpu.memref_slice %arg4[%dma_wait3A_251, %dma_wait3A_252] : memref<2600000x16xf32, #tpu.memory_space<hbm>> -> memref<2600000x16xf32, #tpu.memory_space<hbm>>
      tpu.wait_indirect_dma semaphore(%arg9 : memref<!tpu.dma_semaphore, #tpu.memory_space<semaphore_mem>>) src(%dma_wait3A_253 : memref<2600000x16xf32, #tpu.memory_space<hbm>>) dst(%dma_wait3A_247 : memref<128x16xf32, #tpu.memory_space<vmem>>)
      %dma_wait3A_254 = arith.constant 1024 : i32
      %dma_wait3A_255 = arith.constant 0 : i32
      %dma_wait3A_256 = tpu.memref_slice %arg8[%dma_wait3A_254, %dma_wait3A_255] : memref<1664x16xf32, #tpu.memory_space<vmem>> -> memref<128x16xf32, #tpu.memory_space<vmem>>
      %dma_wait3A_257 = arith.constant 0 : i32
      %dma_wait3A_258 = tpu.memref_slice %arg6[%add3A_50, %dma_wait3A_257] : memref<104x128xi32, #tpu.memory_space<vmem>> -> memref<1x128xi32, #tpu.memory_space<vmem>>
      %dma_wait3A_259 = tpu.memref_squeeze %dma_wait3A_258 : memref<1x128xi32, #tpu.memory_space<vmem>> -> memref<128xi32, #tpu.memory_space<vmem>>
      %dma_wait3A_260 = arith.constant 0 : i32
      %dma_wait3A_261 = arith.constant 0 : i32
      %dma_wait3A_262 = tpu.memref_slice %arg4[%dma_wait3A_260, %dma_wait3A_261] : memref<2600000x16xf32, #tpu.memory_space<hbm>> -> memref<2600000x16xf32, #tpu.memory_space<hbm>>
      tpu.wait_indirect_dma semaphore(%arg9 : memref<!tpu.dma_semaphore, #tpu.memory_space<semaphore_mem>>) src(%dma_wait3A_262 : memref<2600000x16xf32, #tpu.memory_space<hbm>>) dst(%dma_wait3A_256 : memref<128x16xf32, #tpu.memory_space<vmem>>)
      %dma_wait3A_263 = arith.constant 1152 : i32
      %dma_wait3A_264 = arith.constant 0 : i32
      %dma_wait3A_265 = tpu.memref_slice %arg8[%dma_wait3A_263, %dma_wait3A_264] : memref<1664x16xf32, #tpu.memory_space<vmem>> -> memref<128x16xf32, #tpu.memory_space<vmem>>
      %dma_wait3A_266 = arith.constant 0 : i32
      %dma_wait3A_267 = tpu.memref_slice %arg6[%add3A_54, %dma_wait3A_266] : memref<104x128xi32, #tpu.memory_space<vmem>> -> memref<1x128xi32, #tpu.memory_space<vmem>>
      %dma_wait3A_268 = tpu.memref_squeeze %dma_wait3A_267 : memref<1x128xi32, #tpu.memory_space<vmem>> -> memref<128xi32, #tpu.memory_space<vmem>>
      %dma_wait3A_269 = arith.constant 0 : i32
      %dma_wait3A_270 = arith.constant 0 : i32
      %dma_wait3A_271 = tpu.memref_slice %arg4[%dma_wait3A_269, %dma_wait3A_270] : memref<2600000x16xf32, #tpu.memory_space<hbm>> -> memref<2600000x16xf32, #tpu.memory_space<hbm>>
      tpu.wait_indirect_dma semaphore(%arg9 : memref<!tpu.dma_semaphore, #tpu.memory_space<semaphore_mem>>) src(%dma_wait3A_271 : memref<2600000x16xf32, #tpu.memory_space<hbm>>) dst(%dma_wait3A_265 : memref<128x16xf32, #tpu.memory_space<vmem>>)
      %dma_wait3A_272 = arith.constant 1280 : i32
      %dma_wait3A_273 = arith.constant 0 : i32
      %dma_wait3A_274 = tpu.memref_slice %arg8[%dma_wait3A_272, %dma_wait3A_273] : memref<1664x16xf32, #tpu.memory_space<vmem>> -> memref<128x16xf32, #tpu.memory_space<vmem>>
      %dma_wait3A_275 = arith.constant 0 : i32
      %dma_wait3A_276 = tpu.memref_slice %arg6[%add3A_58, %dma_wait3A_275] : memref<104x128xi32, #tpu.memory_space<vmem>> -> memref<1x128xi32, #tpu.memory_space<vmem>>
      %dma_wait3A_277 = tpu.memref_squeeze %dma_wait3A_276 : memref<1x128xi32, #tpu.memory_space<vmem>> -> memref<128xi32, #tpu.memory_space<vmem>>
      %dma_wait3A_278 = arith.constant 0 : i32
      %dma_wait3A_279 = arith.constant 0 : i32
      %dma_wait3A_280 = tpu.memref_slice %arg4[%dma_wait3A_278, %dma_wait3A_279] : memref<2600000x16xf32, #tpu.memory_space<hbm>> -> memref<2600000x16xf32, #tpu.memory_space<hbm>>
      tpu.wait_indirect_dma semaphore(%arg9 : memref<!tpu.dma_semaphore, #tpu.memory_space<semaphore_mem>>) src(%dma_wait3A_280 : memref<2600000x16xf32, #tpu.memory_space<hbm>>) dst(%dma_wait3A_274 : memref<128x16xf32, #tpu.memory_space<vmem>>)
      %dma_wait3A_281 = arith.constant 1408 : i32
      %dma_wait3A_282 = arith.constant 0 : i32
      %dma_wait3A_283 = tpu.memref_slice %arg8[%dma_wait3A_281, %dma_wait3A_282] : memref<1664x16xf32, #tpu.memory_space<vmem>> -> memref<128x16xf32, #tpu.memory_space<vmem>>
      %dma_wait3A_284 = arith.constant 0 : i32
      %dma_wait3A_285 = tpu.memref_slice %arg6[%add3A_62, %dma_wait3A_284] : memref<104x128xi32, #tpu.memory_space<vmem>> -> memref<1x128xi32, #tpu.memory_space<vmem>>
      %dma_wait3A_286 = tpu.memref_squeeze %dma_wait3A_285 : memref<1x128xi32, #tpu.memory_space<vmem>> -> memref<128xi32, #tpu.memory_space<vmem>>
      %dma_wait3A_287 = arith.constant 0 : i32
      %dma_wait3A_288 = arith.constant 0 : i32
      %dma_wait3A_289 = tpu.memref_slice %arg4[%dma_wait3A_287, %dma_wait3A_288] : memref<2600000x16xf32, #tpu.memory_space<hbm>> -> memref<2600000x16xf32, #tpu.memory_space<hbm>>
      tpu.wait_indirect_dma semaphore(%arg9 : memref<!tpu.dma_semaphore, #tpu.memory_space<semaphore_mem>>) src(%dma_wait3A_289 : memref<2600000x16xf32, #tpu.memory_space<hbm>>) dst(%dma_wait3A_283 : memref<128x16xf32, #tpu.memory_space<vmem>>)
      %dma_wait3A_290 = arith.constant 1536 : i32
      %dma_wait3A_291 = arith.constant 0 : i32
      %dma_wait3A_292 = tpu.memref_slice %arg8[%dma_wait3A_290, %dma_wait3A_291] : memref<1664x16xf32, #tpu.memory_space<vmem>> -> memref<128x16xf32, #tpu.memory_space<vmem>>
      %dma_wait3A_293 = arith.constant 0 : i32
      %dma_wait3A_294 = tpu.memref_slice %arg6[%add3A_66, %dma_wait3A_293] : memref<104x128xi32, #tpu.memory_space<vmem>> -> memref<1x128xi32, #tpu.memory_space<vmem>>
      %dma_wait3A_295 = tpu.memref_squeeze %dma_wait3A_294 : memref<1x128xi32, #tpu.memory_space<vmem>> -> memref<128xi32, #tpu.memory_space<vmem>>
      %dma_wait3A_296 = arith.constant 0 : i32
      %dma_wait3A_297 = arith.constant 0 : i32
      %dma_wait3A_298 = tpu.memref_slice %arg4[%dma_wait3A_296, %dma_wait3A_297] : memref<2600000x16xf32, #tpu.memory_space<hbm>> -> memref<2600000x16xf32, #tpu.memory_space<hbm>>
      tpu.wait_indirect_dma semaphore(%arg9 : memref<!tpu.dma_semaphore, #tpu.memory_space<semaphore_mem>>) src(%dma_wait3A_298 : memref<2600000x16xf32, #tpu.memory_space<hbm>>) dst(%dma_wait3A_292 : memref<128x16xf32, #tpu.memory_space<vmem>>)
      %mul3A_299 = arith.constant 1664 : i32
      %mul3A_300 = arith.muli %scan3A_14, %mul3A_299 : i32
      %add3A_301 = arith.addi %mul3A_2, %mul3A_300 : i32
      "tpu.region"() ({
        %run_scoped3A = tpu.sem_alloc : memref<!tpu.dma_semaphore, #tpu.memory_space<semaphore_mem>>
        %dma_start3A_302 = arith.constant 0 : i32
        %dma_start3A_303 = tpu.memref_slice %arg5[%add3A_301, %dma_start3A_302] : memref<425984x16xf32, #tpu.memory_space<hbm>> -> memref<1664x16xf32, #tpu.memory_space<hbm>>
        %dma_start3A_304 = arith.constant 0 : i32
        %dma_start3A_305 = tpu.memref_slice %arg5[%add3A_301, %dma_start3A_304] : memref<425984x16xf32, #tpu.memory_space<hbm>> -> memref<1664x16xf32, #tpu.memory_space<hbm>>
        tpu.enqueue_dma source(%arg8 : memref<1664x16xf32, #tpu.memory_space<vmem>>) target(%dma_start3A_305 : memref<1664x16xf32, #tpu.memory_space<hbm>>) target_semaphore(%run_scoped3A : memref<!tpu.dma_semaphore, #tpu.memory_space<semaphore_mem>>)
        %dma_wait3A_306 = arith.constant 0 : i32
        %dma_wait3A_307 = tpu.memref_slice %arg5[%add3A_301, %dma_wait3A_306] : memref<425984x16xf32, #tpu.memory_space<hbm>> -> memref<1664x16xf32, #tpu.memory_space<hbm>>
        %dma_wait3A_308 = arith.constant 0 : i32
        %dma_wait3A_309 = tpu.memref_slice %arg5[%add3A_301, %dma_wait3A_308] : memref<425984x16xf32, #tpu.memory_space<hbm>> -> memref<1664x16xf32, #tpu.memory_space<hbm>>
        tpu.wait_dma2 semaphore(%run_scoped3A : memref<!tpu.dma_semaphore, #tpu.memory_space<semaphore_mem>>) src(%arg8 : memref<1664x16xf32, #tpu.memory_space<vmem>>) dst(%dma_wait3A_309 : memref<1664x16xf32, #tpu.memory_space<hbm>>)
        tpu.yield
      }) : () -> ()
    }
    %scan3A_13 = arith.constant 8 : i32
    return
  }
}

</mosaic_0001>

<sc_bundles>
// kernel: _sc_gather.3.cloned.1.call-start
scs
__scs_entry_jumppad:
0x0: {  	(pc) =	sbr.rel $0x88, $3  }
0x1: {  	(tag) =	ssettag $0x0;
	lr =	simm.s32 $0x1  }
0x2: {  	[smem:$0x3F9E] =	sst lr;
	_ =	strace $0xD0000000  }
0x3: {  	_ = 	snop  }
0x4: {  	_ = 	snop  }
0x5: {  	_ = 	snop  }
0x6: {  	_ = 	snop  }
0x7: {  	_ = 	snop  }
__scs_overlays_trampoline_lowered:
0x8: {  	[smem:$0x3FAD] =	sst s0  }
0x9: {  	[smem:$0x3FAE] =	sst s1  }
0xa: {  	[smem:$0x3FAF] =	sst s2  }
0xb: {  	[smem:$0x3FB0] =	sst s3  }
0xc: {  	[smem:$0x3FB1] =	sst s4  }
0xd: {  	[smem:$0x3FB2] =	sst s5  }
0xe: {  	[smem:$0x3FB3] =	sst s6  }
0xf: {  	[smem:$0x3FB4] =	sst s7  }
0x10: {  	[smem:$0x3FB5] =	sst s8  }
0x11: {  	[smem:$0x3FB6] =	sst s9;
	s0 =	simm.s32 @!p0 $0x0  }
0x12: {  	s1 =	sld [smem:$0x3F9C];
	s0 =	simm.s32 @p0 $0x1  }
0x13: {  	[smem:$0x3FB7] =	sst s0;
	s0 =	simm.s32 @!p1 $0x0  }
0x14: {  	s2 =	sld [smem:$0x3F9B];
	s0 =	simm.s32 @p1 $0x1  }
0x15: {  	[smem:$0x3FB8] =	sst s0;
	s0 =	simm.s32 @!p2 $0x0  }
0x16: {  	s3 =	sld [smem:$0x3FDB];
	s0 =	simm.s32 @p2 $0x1  }
0x17: {  	s4 =	simm.s32 $0x1BF5;
	[smem:$0x3FBA] =	sst s0  }
0x18: {  	s0 =	sld [smem:$0x3F9D];
	_ =	swait.ge [sflag:s4], $0x0  }
0x19: {  	s7 =	sld [smem:$0x3F9E]  }
0x1a: {  	s8 =	sadd.s32 $0xFFFFE003, lr  }
0x1b: {  	s9 =	sadd.s32 $0xFFFFFEF7, lr;
	s5 =	simm.s32 $0xFFFFFFFF;
	p2 =	slt.u32 s8, $0xFFFFF086  }
0x1c: {  	p1 =	slt.u32 s9, $0xF7A;
	s5 =	simm.s32 @!p2 $0x0  }
0x1d: {  	s5 =	simm.s32 @p1 $0x1;
	p0 =	seq.s32 s7, s2  }
0x1e: {  	s7 =	smul.u32 @!p0 $0xF7A, s2;
	p2 =	seq.s32 @!p0 s5, $0x0  }
0x1f: {  	s9 =	smul.u32 $0xF7A, s1;
	s8 =	simm.s32 @!p0 $0x1BF5;
	p2 =	por !p2, p0  }
0x20: {  	[sflag:s8] =	ssyncset.s32 @!p0 $0xFFFFF086;
	s6 =	sadd.s32 @!p0 s3, s7;
	s7 =	simm.s32 @!p0 $0x108  }
0x21: {  	s3 =	sadd.s32 s3, s9;
	s6 =	sadd.s32 @!p0 $0x88, s6;
	s7 =	simm.s32 @p2 $0x1082  }
0x22: {  	[simem:s7], [sflag:s8] =	dma.local @!p0 [hbm:s6], $0xF7A  }
0x23: {  	s9 =	sor.u32 $0xD0000000, s2;
	s6 =	simm.s32 $0x108;
	_ =	swait.ge @!p0 [sflag:s8], $0x0  }
0x24: {  	s3 =	sadd.s32 $0x88, s3;
	s6 =	simm.s32 @!p1 $0x1082;
	[sflag:s4] =	ssyncset.s32 $0xFFFFF086  }
0x25: {  	[simem:s6], [sflag:s4] =	dma.local [hbm:s3], $0xF7A  }
0x26: {  	[smem:$0x3F9E] =	sst s1;
	(tag) =	ssettag s2;
	_ =	strace s9  }
0x27: {  	s1 =	sld [smem:$0x3FAE]  }
0x28: {  	s2 =	sld [smem:$0x3FAF]  }
0x29: {  	s4 =	sld [smem:$0x3FB1]  }
0x2a: {  	p0 =	seq.s32 s5, $0x0;
	s5 =	sld [smem:$0x3FB2]  }
0x2b: {  	s6 =	sld [smem:$0x3FB3]  }
0x2c: {  	s7 =	sld [smem:$0x3FB4]  }
0x2d: {  	s3 =	simm.s32 $0x108;
	s8 =	sld [smem:$0x3FB5]  }
0x2e: {  	s3 =	simm.s32 @!p0 $0x1082;
	s9 =	sld [smem:$0x3FB6]  }
0x2f: {  	lr =	sadd.s32 s0, s3;
	s0 =	sld [smem:$0x3FAD]  }
0x30: {  	s3 =	sld [smem:$0x3FB0]  }
0x31: {  	[smem:$0x3FB9] =	sst s10  }
0x32: {  	s10 =	sld [smem:$0x3FB7];
	_ =	sdelay $0x3  }
0x33: {  	p0 =	seq.s32 s10, $0x1;
	s10 =	sld [smem:$0x3FB9];
	_ =	sdelay $0x3  }
0x34: {  	[smem:$0x3FB9] =	sst s10  }
0x35: {  	s10 =	sld [smem:$0x3FB8];
	_ =	sdelay $0x3  }
0x36: {  	p1 =	seq.s32 s10, $0x1;
	s10 =	sld [smem:$0x3FB9];
	_ =	sdelay $0x3  }
0x37: {  	[smem:$0x3FB9] =	sst s10  }
0x38: {  	s10 =	sld [smem:$0x3FBA]  }
0x39: {  	_ = 	snop;
	(pc) =	sbr.ind lr, $3  }
0x3a: {  	_ = 	snop  }
0x3b: {  	_ = 	snop  }
0x3c: {  	p2 =	seq.s32 s10, $0x1;
	s10 =	sld [smem:$0x3FB9]  }
0x3d: {  	_ =	shalt  }
0x3e: {  	_ =	shalt  }
0x3f: {  	_ =	shalt  }
0x40: {  	_ =	shalt  }
0x41: {  	_ =	shalt  }
0x42: {  	_ =	shalt  }
0x43: {  	_ =	shalt  }
0x44: {  	_ =	shalt  }
0x45: {  	_ =	shalt  }
0x46: {  	_ =	shalt  }
0x47: {  	_ =	shalt  }
0x48: {  	_ =	shalt  }
0x49: {  	_ =	shalt  }
0x4a: {  	_ =	shalt  }
0x4b: {  	_ =	shalt  }
0x4c: {  	_ =	shalt  }
0x4d: {  	_ =	shalt  }
0x4e: {  	_ =	shalt  }
0x4f: {  	_ =	shalt  }
0x50: {  	_ =	shalt  }
0x51: {  	_ =	shalt  }
0x52: {  	_ =	shalt  }
0x53: {  	_ =	shalt  }
0x54: {  	_ =	shalt  }
0x55: {  	_ =	shalt  }
0x56: {  	_ =	shalt  }
0x57: {  	_ =	shalt  }
0x58: {  	_ =	shalt  }
0x59: {  	_ =	shalt  }
0x5a: {  	_ =	shalt  }
0x5b: {  	_ =	shalt  }
0x5c: {  	_ =	shalt  }
0x5d: {  	_ =	shalt  }
0x5e: {  	_ =	shalt  }
0x5f: {  	_ =	shalt  }
0x60: {  	_ =	shalt  }
0x61: {  	_ =	shalt  }
0x62: {  	_ =	shalt  }
0x63: {  	_ =	shalt  }
0x64: {  	_ =	shalt  }
0x65: {  	_ =	shalt  }
0x66: {  	_ =	shalt  }
0x67: {  	_ =	shalt  }
0x68: {  	_ =	shalt  }
0x69: {  	_ =	shalt  }
0x6a: {  	_ =	shalt  }
0x6b: {  	_ =	shalt  }
0x6c: {  	_ =	shalt  }
0x6d: {  	_ =	shalt  }
0x6e: {  	_ =	shalt  }
0x6f: {  	_ =	shalt  }
0x70: {  	_ =	shalt  }
0x71: {  	_ =	shalt  }
0x72: {  	_ =	shalt  }
0x73: {  	_ =	shalt  }
0x74: {  	_ =	shalt  }
0x75: {  	_ =	shalt  }
0x76: {  	_ =	shalt  }
0x77: {  	_ =	shalt  }
0x78: {  	_ =	shalt  }
0x79: {  	_ =	shalt  }
0x7a: {  	_ =	shalt  }
0x7b: {  	_ =	shalt  }
0x7c: {  	_ =	shalt  }
0x7d: {  	_ =	shalt  }
0x7e: {  	_ =	shalt  }
0x7f: {  	_ =	shalt  }
0x80: {  	_ =	shalt  }
0x81: {  	_ =	shalt  }
0x82: {  	_ =	shalt  }
0x83: {  	_ =	shalt  }
0x84: {  	_ =	shalt  }
0x85: {  	_ =	shalt  }
0x86: {  	_ =	shalt  }
0x87: {  	_ =	shalt  }
.Lfunc_end0:
.L_simem_size_0:
called_computation_lowered:
.L_overlay_start_0:
0x88: {  	s2 =	sld [smem:$0x3FD9]  }
0x89: {  	s3 =	sld [smem:$0x3FFE];
	_ =	sdelay $0x1  }
0x8a: {  	s1 =	srdreg.scid  }
0x8b: {  	s0 =	sand.u32 $0x1, s1  }
0x8c: {  	s17 =	sshll.u32 s0, $0xA;
	s2 =	sadd.s32 s3, s2  }
0x8d: {  	s2 =	sadd.s32 s2, s17  }
0x8e: {  	[smem:$0x3FC5] =	sst s2  }
0x8f: {  	_ = 	snop  }
0x90: {  	s2 =	sld [smem:$0x3FC9]  }
0x91: {  	s18 =	sld [smem:$0x3FC8]  }
0x92: {  	s4 =	sld [smem:$0x3FD0];
	(tm) =	ssettm $0x1  }
0x93: {  	s5 =	sld [smem:$0x3FFB];
	_ =	sdelay $0x3  }
0x94: {  	_ =	strace s5  }
0x95: {  	s5 =	sld [smem:$0x3FFC];
	_ =	sdelay $0x3  }
0x96: {  	_ =	strace s5  }
0x97: {  	s5 =	sld [smem:$0x3FFD];
	_ =	sdelay $0x3  }
0x98: {  	_ =	strace s5  }
0x99: {  	_ =	strace $0x8FFFFFFF  }
0x9a: {  	s19 =	sld [smem:$0x3FDB];
	_ =	sdelay $0x1  }
0x9b: {  	s6 =	simm.s32 $_scs_section_size  }
0x9c: {  	s7 =	simm.s32 $_size__tile_overlayer_lowered;
	s8 =	simm.s32 $_tile_overlayer_lowered  }
0x9d: {  	s22 =	simm.s32 $0x1BFF;
	s21 =	sshll.u32 s8, $0x1;
	s5 =	sadd.s32 s6, s19  }
0x9e: {  	s9 =	simm.s32 $0x0;
	s20 =	sshll.u32 s7, $0x1;
	s7 =	sadd.s32 s21, s5  }
0x9f: {  	[timem:s9], [sflag:s22] =	dma.local [hbm:s7], s20  }
0xa0: {  	_ =	swait.ge [sflag:s22], s20  }
0xa1: {  	s6 =	ssub.s32 $0x0, s20;
	[sflag:s22] =	ssyncset.done $0x0  }
0xa2: {  	[sflag:s22] =	ssyncadd.s32 s6;
	_ =	sdelay $0x1  }
0xa3: {  	s23 =	simm.s32 $0x1B8B  }
0xa4: {  	_ =	swait.ge [sflag:s23], $0x1  }
0xa5: {  	[sflag:s23] =	ssyncset.done $0x0  }
0xa6: {  	s25 =	simm.s32 $0x1B8E;
	s24 =	sld [smem:$0x3FFE];
	[sflag:s23] =	ssyncadd.s32 $0xFFFFFFFF  }
0xa7: {  	s26 =	simm.s32 $execute0_lowered;
	[smem:$0x3FD2] =	sst s25  }
0xa8: {  	s7 =	sshll.u32 s26, $0x1;
	_ =	strace $0x80000046;
	[dreg:$0x1] =	wrdreg $0xFFFFFFFF  }
0xa9: {  	s28 =	simm.s32 $_size_execute0_lowered;
	s5 =	sadd.s32 s5, s7;
	[dreg:$0x0] =	wrdreg $0x0  }
0xaa: {  	s7 =	sshll.u32 s28, $0x1;
	[dreg:$0x2] =	wrdreg s5  }
0xab: {  	[dreg:$0x3] =	wrdreg s7  }
0xac: {  	[dreg:$0x4] =	wrdreg $0xC0  }
0xad: {  	_ =	task [dreg:s9], $0x5FFFF  }
0xae: {  	[dreg:$0x1] =	wrdreg $0xFFFFFFFF  }
0xaf: {  	[dreg:$0x0] =	wrdreg $0x60  }
0xb0: {  	[dreg:$0x2] =	wrdreg s2  }
0xb1: {  	[dreg:$0x3] =	wrdreg s18  }
0xb2: {  	[dreg:$0x4] =	wrdreg s24  }
0xb3: {  	[dreg:$0x5] =	wrdreg s4  }
0xb4: {  	[dreg:$0x6] =	wrdreg $0x9  }
0xb5: {  	_ =	task.clear_ibuf [dreg:s9], $0x7FFFF;
	_ =	strace $0x90000046  }
0xb6: {  	s29 =	simm.s32 $0x9;
	_ =	strace $0x80000048  }
0xb7: {  	_ =	swait.ge [sflag:s29], $0x1  }
0xb8: {  	[sflag:s29] =	ssyncadd.s32 $0xFFFFFFFF  }
0xb9: {  	_ =	strace $0x90000048  }
0xba: {  	_ =	sfence  }
0xbb: {  	s30 =	sld [smem:$0x0];
	_ =	sdelay $0x2  }
0xbc: {  	s31 =	sshll.u32 s1, $0xD;
	s1 =	sshrl.u32 s1, $0x2  }
0xbd: {  	s3 =	sand.u32 $0x4000, s31;
	s1 =	sadd.s32 s1, s30  }
0xbe: {  	s0 =	sor.u32 s3, s0;
	s1 =	sshll.u32 s1, $0x11  }
0xbf: {  	s0 =	sor.u32 s1, s0  }
0xc0: {  	s0 =	sadd.s32 $0x8F2B, s0  }
0xc1: {  	[sflag:s0] =	ssyncadd.remote.s32 $0x1  }
0xc2: {  	_ =	sfence.sel $0xFFFF  }
0xc3: {  	[dreg:$0x0] =	wrdreg $0xFFFFFFFF;
	(pc) =	sbr.abs _section_cstart, $3  }
0xc4: {  	[dreg:$0x1] =	wrdreg $0xFFFFFFFF  }
0xc5: {  	_ =	task.clear_ibuf [dreg:s9], $0x2FFFF;
	_ =	strace $0x9FFFFFFF  }
0xc6: {  	(tm) =	ssettm $0x7FFFFFFF  }
0xc7: {  	_ =	shalt  }
tec
execute0_lowered:
.L_overlay_start_1:
0x0: {  	(tag) =	ssettag $0x1  }
0x1: {  	s5 =	rddreg [dreg:$0x0]  }
0x2: {  	s1 =	rddreg [dreg:$0x1]  }
0x3: {  	s4 =	rddreg [dreg:$0x2]  }
0x4: {  	s7 =	rddreg [dreg:$0x3];
	s6 =	srdreg.scid  }
0x5: {  	s2 =	stileid.u32;
	s3 =	simm.s32 $0x0;
	s31 =	simm.s32 $0x7000  }
0x6: {  	s12 =	simm.s32 $0x7800;
	s13 =	simm.s32 $0x8800;
	s14 =	simm.s32 $0x9000  }
0x7: {  	s15 =	simm.s32 $0x9800;
	s16 =	simm.s32 $0xA000;
	s17 =	simm.s32 $0xA800  }
0x8: {  	s18 =	simm.s32 $0xB000;
	s19 =	simm.s32 $0xB800;
	s20 =	simm.s32 $0xC000  }
0x9: {  	s21 =	simm.s32 $0xC800;
	s22 =	simm.s32 $0x1;
	s23 =	simm.s32 $0x0  }
0xa: {  	s6 =	sand.u32 $0x1, s6;
	s8 =	sshll.u32 s2, $0x1;
	[smem:$0x7FF] =	sst s3  }
0xb: {  	s4 =	sadd.s32 $0x27AC800, s4;
	s11 =	smul.u32 $0xD000, s2;
	s8 =	sor.u32 s6, s8  }
0xc: {  	_ =	strace $0x80000047;
	s9 =	ssub.s32 $0x2, s6;
	[dreg:$0x5] =	wrdreg s31  }
0xd: {  	s30 =	smul.u32 $0x6800, s6;
	[dreg:$0x6] =	wrdreg s12;
	s12 =	simm.s32 $0x8000  }
0xe: {  	s8 =	smul.u32 $0x3400, s8;
	s10 =	sshrl.u32 s9, $0x1;
	s7 =	sadd.s32 s11, s7  }
0xf: {  	s11 =	simm.s32 $0x6800;
	s9 =	ssub.s32 s9, s10;
	s7 =	sadd.s32 s30, s7  }
0x10: {  	s10 =	simm.s32 $0x80;
	s8 =	sshrl.u32 s8, $0x3;
	s6 =	smax.u32 s9, $0x1  }
0x11: {  	s9 =	simm.s32 $0x3400;
	s5 =	sadd.s32 s5, s8;
	s8 =	simm.s32 $0x2  }
.LBB2_1:
0x12: {  	[tilespmem:s3], [sflag:$0x2] =	stream.linear.gather [hbm4b:s5+s3], $0x3400, $0x38;
	[tilespmem:$0xD000] =	vst v63  }
0x13: {  	_ =	swait.ge [sflag:s8], $0x3400  }
0x14: {  	[sflag:s8] =	ssyncset.done $0x0  }
0x15: {  	[sflag:s8] =	ssyncadd.s32 $0xFFFFCC00  }
0x16: {  	[tilespmem:s9], [sflag:$0x2] =	stream.linear.gather [hbm4b:s1+s3], $0x3400, $0x38;
	[tilespmem:$0xD000] =	vst v63  }
0x17: {  	_ =	swait.ge [sflag:s8], $0x3400  }
0x18: {  	[sflag:s8] =	ssyncset.done $0x0  }
0x19: {  	s24 =	simm.s32 $0x0;
	[sflag:s8] =	ssyncadd.s32 $0xFFFFCC00  }
0x1a: {  	s25 =	simm.s32 $0x40;
	v0 =	vld [tilespmem:s24+$0x3400]  }
.LBB2_2:
0x1b: {  	p0 =	sne.s32 s25, $0xCFC0;
	v1 =	vld [tilespmem:s24+$0x0];
	_ =	sdelay $0x1  }
.Ltmp0:
0x1c: {  	(pc) =	sbr.rel @p0 .LBB2_2-.Ltmp0, $3  }
0x1d: {  	_ =	sdelay $0x1  }
0x1e: {  	s26 =	sshra.s32 s25, $0x2;
	v1 =	vadd.s32 v1, v0  }
0x1f: {  	s25 =	sadd.s32 $0x40, s25;
	v0 =	vld [tilespmem:s26+$0x3400];
	[tilespmem:s24+$0x0] =	vst v1;
	s24 =	smov.u32 s26  }
0x20: {  	v1 =	vld [tilespmem:s24+$0x0];
	_ =	sdelay $0x4  }
0x21: {  	v0 =	vadd.s32 v1, v0  }
0x22: {  	s31 =	simm.s32 $0x0;
	[tilespmem:s24+$0x0] =	vst v0  }
0x23: {  	[tilespmem:s11], [sflag:$0x1] =	stream.indirect.gather [hbm4b:s4+s10], $0x10, s31, s10, $0xb8;
	[tilespmem:$0xD000] =	vst v63  }
0x24: {  	s25 =	rddreg [dreg:$0x5];
	s0 =	simm.s32 $0x80  }
0x25: {  	[tilespmem:s25], [sflag:$0x1] =	stream.indirect.gather [hbm4b:s4+s10], $0x10, s0, s10, $0xb8;
	[tilespmem:$0xD000] =	vst v63  }
0x26: {  	s26 =	rddreg [dreg:$0x6];
	s25 =	simm.s32 $0x100  }
0x27: {  	[tilespmem:s26], [sflag:$0x1] =	stream.indirect.gather [hbm4b:s4+s10], $0x10, s25, s10, $0xb8;
	[tilespmem:$0xD000] =	vst v63  }
0x28: {  	s26 =	simm.s32 $0x180  }
0x29: {  	[tilespmem:s12], [sflag:$0x1] =	stream.indirect.gather [hbm4b:s4+s10], $0x10, s26, s10, $0xb8;
	[tilespmem:$0xD000] =	vst v63  }
0x2a: {  	s29 =	simm.s32 $0x200  }
0x2b: {  	[tilespmem:s13], [sflag:$0x1] =	stream.indirect.gather [hbm4b:s4+s10], $0x10, s29, s10, $0xb8;
	[tilespmem:$0xD000] =	vst v63  }
0x2c: {  	s30 =	simm.s32 $0x280  }
0x2d: {  	[tilespmem:s14], [sflag:$0x1] =	stream.indirect.gather [hbm4b:s4+s10], $0x10, s30, s10, $0xb8;
	[tilespmem:$0xD000] =	vst v63  }
0x2e: {  	s31 =	simm.s32 $0x300  }
0x2f: {  	[tilespmem:s15], [sflag:$0x1] =	stream.indirect.gather [hbm4b:s4+s10], $0x10, s31, s10, $0xb8;
	[tilespmem:$0xD000] =	vst v63  }
0x30: {  	s0 =	simm.s32 $0x380  }
0x31: {  	[tilespmem:s16], [sflag:$0x1] =	stream.indirect.gather [hbm4b:s4+s10], $0x10, s0, s10, $0xb8;
	[tilespmem:$0xD000] =	vst v63  }
0x32: {  	s25 =	simm.s32 $0x400  }
0x33: {  	[tilespmem:s17], [sflag:$0x1] =	stream.indirect.gather [hbm4b:s4+s10], $0x10, s25, s10, $0xb8;
	[tilespmem:$0xD000] =	vst v63  }
0x34: {  	s26 =	simm.s32 $0x480  }
0x35: {  	[tilespmem:s18], [sflag:$0x1] =	stream.indirect.gather [hbm4b:s4+s10], $0x10, s26, s10, $0xb8;
	[tilespmem:$0xD000] =	vst v63  }
0x36: {  	s29 =	simm.s32 $0x500  }
0x37: {  	[tilespmem:s19], [sflag:$0x1] =	stream.indirect.gather [hbm4b:s4+s10], $0x10, s29, s10, $0xb8;
	[tilespmem:$0xD000] =	vst v63  }
0x38: {  	s30 =	simm.s32 $0x580  }
0x39: {  	[tilespmem:s20], [sflag:$0x1] =	stream.indirect.gather [hbm4b:s4+s10], $0x10, s30, s10, $0xb8;
	[tilespmem:$0xD000] =	vst v63  }
0x3a: {  	s31 =	simm.s32 $0x600  }
0x3b: {  	[tilespmem:s21], [sflag:$0x1] =	stream.indirect.gather [hbm4b:s4+s10], $0x10, s31, s10, $0xb8;
	[tilespmem:$0xD000] =	vst v63  }
0x3c: {  	_ =	swait.ge [sflag:s22], $0x800  }
0x3d: {  	[sflag:s22] =	ssyncset.done $0x0  }
0x3e: {  	[sflag:s22] =	ssyncadd.s32 $0xFFFFF800  }
0x3f: {  	_ =	swait.ge [sflag:s22], $0x800  }
0x40: {  	[sflag:s22] =	ssyncset.done $0x0  }
0x41: {  	[sflag:s22] =	ssyncadd.s32 $0xFFFFF800  }
0x42: {  	_ =	swait.ge [sflag:s22], $0x800  }
0x43: {  	[sflag:s22] =	ssyncset.done $0x0  }
0x44: {  	[sflag:s22] =	ssyncadd.s32 $0xFFFFF800  }
0x45: {  	_ =	swait.ge [sflag:s22], $0x800  }
0x46: {  	[sflag:s22] =	ssyncset.done $0x0  }
0x47: {  	[sflag:s22] =	ssyncadd.s32 $0xFFFFF800  }
0x48: {  	_ =	swait.ge [sflag:s22], $0x800  }
0x49: {  	[sflag:s22] =	ssyncset.done $0x0  }
0x4a: {  	[sflag:s22] =	ssyncadd.s32 $0xFFFFF800  }
0x4b: {  	_ =	swait.ge [sflag:s22], $0x800  }
0x4c: {  	[sflag:s22] =	ssyncset.done $0x0  }
0x4d: {  	[sflag:s22] =	ssyncadd.s32 $0xFFFFF800  }
0x4e: {  	_ =	swait.ge [sflag:s22], $0x800  }
0x4f: {  	[sflag:s22] =	ssyncset.done $0x0  }
0x50: {  	[sflag:s22] =	ssyncadd.s32 $0xFFFFF800  }
0x51: {  	_ =	swait.ge [sflag:s22], $0x800  }
0x52: {  	[sflag:s22] =	ssyncset.done $0x0  }
0x53: {  	[sflag:s22] =	ssyncadd.s32 $0xFFFFF800  }
0x54: {  	_ =	swait.ge [sflag:s22], $0x800  }
0x55: {  	[sflag:s22] =	ssyncset.done $0x0  }
0x56: {  	[sflag:s22] =	ssyncadd.s32 $0xFFFFF800  }
0x57: {  	_ =	swait.ge [sflag:s22], $0x800  }
0x58: {  	[sflag:s22] =	ssyncset.done $0x0  }
0x59: {  	[sflag:s22] =	ssyncadd.s32 $0xFFFFF800  }
0x5a: {  	_ =	swait.ge [sflag:s22], $0x800  }
0x5b: {  	[sflag:s22] =	ssyncset.done $0x0  }
0x5c: {  	[sflag:s22] =	ssyncadd.s32 $0xFFFFF800  }
0x5d: {  	_ =	swait.ge [sflag:s22], $0x800  }
0x5e: {  	[sflag:s22] =	ssyncset.done $0x0  }
0x5f: {  	[sflag:s22] =	ssyncadd.s32 $0xFFFFF800  }
0x60: {  	_ =	swait.ge [sflag:s22], $0x800  }
0x61: {  	[sflag:s22] =	ssyncset.done $0x0  }
0x62: {  	[sflag:s22] =	ssyncadd.s32 $0xFFFFF800  }
0x63: {  	[hbm4b:s7+s3] =	stream.linear.scatter [tilespmem:s11], [sflag:$0x2], $0x6800, $0x38;
	[tilespmem:$0xD000] =	vst v63  }
0x64: {  	s28 =	simm.s32 $0x3400;
	_ =	swait.ge [sflag:s8], $0x6800  }
0x65: {  	s24 =	sadd.s32 $0xD00, s7;
	s25 =	simm.s32 $0x1A00;
	[sflag:s8] =	ssyncset.done $0x0  }
.LBB2_4:
0x66: {  	s29 =	sshra.s32 s25, $0x2;
	s30 =	rddreg [dreg:$0x5];
	[sflag:s8] =	ssyncadd.s32 $0xFFFF9800  }
0x67: {  	[tilespmem:s11], [sflag:$0x1] =	stream.indirect.gather [hbm4b:s4+s10], $0x10, s29, s10, $0xb8;
	[tilespmem:$0xD000] =	vst v63  }
0x68: {  	s25 =	smov.u32 s28;
	s26 =	sadd.s32 $0x1A00, s28;
	s31 =	sadd.s32 $0x80, s29  }
0x69: {  	[tilespmem:s30], [sflag:$0x1] =	stream.indirect.gather [hbm4b:s4+s10], $0x10, s31, s10, $0xb8;
	[tilespmem:$0xD000] =	vst v63  }
0x6a: {  	s0 =	rddreg [dreg:$0x6];
	p0 =	sne.s32 s28, $0xB600;
	s28 =	sadd.s32 $0x100, s29  }
0x6b: {  	[tilespmem:s0], [sflag:$0x1] =	stream.indirect.gather [hbm4b:s4+s10], $0x10, s28, s10, $0xb8;
	[tilespmem:$0xD000] =	vst v63  }
0x6c: {  	s30 =	sadd.s32 $0x180, s29  }
0x6d: {  	[tilespmem:s12], [sflag:$0x1] =	stream.indirect.gather [hbm4b:s4+s10], $0x10, s30, s10, $0xb8;
	[tilespmem:$0xD000] =	vst v63  }
0x6e: {  	s31 =	sadd.s32 $0x200, s29  }
0x6f: {  	[tilespmem:s13], [sflag:$0x1] =	stream.indirect.gather [hbm4b:s4+s10], $0x10, s31, s10, $0xb8;
	[tilespmem:$0xD000] =	vst v63  }
0x70: {  	s30 =	sadd.s32 $0x280, s29  }
0x71: {  	[tilespmem:s14], [sflag:$0x1] =	stream.indirect.gather [hbm4b:s4+s10], $0x10, s30, s10, $0xb8;
	[tilespmem:$0xD000] =	vst v63  }
0x72: {  	s31 =	sadd.s32 $0x300, s29  }
0x73: {  	[tilespmem:s15], [sflag:$0x1] =	stream.indirect.gather [hbm4b:s4+s10], $0x10, s31, s10, $0xb8;
	[tilespmem:$0xD000] =	vst v63  }
0x74: {  	s30 =	sadd.s32 $0x380, s29  }
0x75: {  	[tilespmem:s16], [sflag:$0x1] =	stream.indirect.gather [hbm4b:s4+s10], $0x10, s30, s10, $0xb8;
	[tilespmem:$0xD000] =	vst v63  }
0x76: {  	s31 =	sadd.s32 $0x400, s29  }
0x77: {  	[tilespmem:s17], [sflag:$0x1] =	stream.indirect.gather [hbm4b:s4+s10], $0x10, s31, s10, $0xb8;
	[tilespmem:$0xD000] =	vst v63  }
0x78: {  	s30 =	sadd.s32 $0x480, s29  }
0x79: {  	[tilespmem:s18], [sflag:$0x1] =	stream.indirect.gather [hbm4b:s4+s10], $0x10, s30, s10, $0xb8;
	[tilespmem:$0xD000] =	vst v63  }
0x7a: {  	s31 =	sadd.s32 $0x500, s29  }
0x7b: {  	[tilespmem:s19], [sflag:$0x1] =	stream.indirect.gather [hbm4b:s4+s10], $0x10, s31, s10, $0xb8;
	[tilespmem:$0xD000] =	vst v63  }
0x7c: {  	s30 =	sadd.s32 $0x580, s29  }
0x7d: {  	[tilespmem:s20], [sflag:$0x1] =	stream.indirect.gather [hbm4b:s4+s10], $0x10, s30, s10, $0xb8;
	[tilespmem:$0xD000] =	vst v63  }
0x7e: {  	s31 =	sadd.s32 $0x600, s29  }
0x7f: {  	[tilespmem:s21], [sflag:$0x1] =	stream.indirect.gather [hbm4b:s4+s10], $0x10, s31, s10, $0xb8;
	[tilespmem:$0xD000] =	vst v63  }
0x80: {  	_ =	swait.ge [sflag:s22], $0x800  }
0x81: {  	[sflag:s22] =	ssyncset.done $0x0  }
0x82: {  	[sflag:s22] =	ssyncadd.s32 $0xFFFFF800  }
0x83: {  	_ =	swait.ge [sflag:s22], $0x800  }
0x84: {  	[sflag:s22] =	ssyncset.done $0x0  }
0x85: {  	[sflag:s22] =	ssyncadd.s32 $0xFFFFF800  }
0x86: {  	_ =	swait.ge [sflag:s22], $0x800  }
0x87: {  	[sflag:s22] =	ssyncset.done $0x0  }
0x88: {  	[sflag:s22] =	ssyncadd.s32 $0xFFFFF800  }
0x89: {  	_ =	swait.ge [sflag:s22], $0x800  }
0x8a: {  	[sflag:s22] =	ssyncset.done $0x0  }
0x8b: {  	[sflag:s22] =	ssyncadd.s32 $0xFFFFF800  }
0x8c: {  	_ =	swait.ge [sflag:s22], $0x800  }
0x8d: {  	[sflag:s22] =	ssyncset.done $0x0  }
0x8e: {  	[sflag:s22] =	ssyncadd.s32 $0xFFFFF800  }
0x8f: {  	_ =	swait.ge [sflag:s22], $0x800  }
0x90: {  	[sflag:s22] =	ssyncset.done $0x0  }
0x91: {  	[sflag:s22] =	ssyncadd.s32 $0xFFFFF800  }
0x92: {  	_ =	swait.ge [sflag:s22], $0x800  }
0x93: {  	[sflag:s22] =	ssyncset.done $0x0  }
0x94: {  	[sflag:s22] =	ssyncadd.s32 $0xFFFFF800  }
0x95: {  	_ =	swait.ge [sflag:s22], $0x800  }
0x96: {  	[sflag:s22] =	ssyncset.done $0x0  }
0x97: {  	[sflag:s22] =	ssyncadd.s32 $0xFFFFF800  }
0x98: {  	_ =	swait.ge [sflag:s22], $0x800  }
0x99: {  	[sflag:s22] =	ssyncset.done $0x0  }
0x9a: {  	[sflag:s22] =	ssyncadd.s32 $0xFFFFF800  }
0x9b: {  	_ =	swait.ge [sflag:s22], $0x800  }
0x9c: {  	[sflag:s22] =	ssyncset.done $0x0  }
0x9d: {  	[sflag:s22] =	ssyncadd.s32 $0xFFFFF800  }
0x9e: {  	_ =	swait.ge [sflag:s22], $0x800  }
0x9f: {  	[sflag:s22] =	ssyncset.done $0x0  }
0xa0: {  	[sflag:s22] =	ssyncadd.s32 $0xFFFFF800  }
0xa1: {  	_ =	swait.ge [sflag:s22], $0x800  }
0xa2: {  	[sflag:s22] =	ssyncset.done $0x0  }
0xa3: {  	[sflag:s22] =	ssyncadd.s32 $0xFFFFF800  }
0xa4: {  	_ =	swait.ge [sflag:s22], $0x800  }
.Ltmp1:
0xa5: {  	[sflag:s22] =	ssyncset.done $0x0;
	(pc) =	sbr.rel @p0 .LBB2_4-.Ltmp1, $4  }
0xa6: {  	[sflag:s22] =	ssyncadd.s32 $0xFFFFF800  }
0xa7: {  	[hbm4b:s24+s3] =	stream.linear.scatter [tilespmem:s11], [sflag:$0x2], $0x6800, $0x38;
	[tilespmem:$0xD000] =	vst v63  }
0xa8: {  	_ =	swait.ge [sflag:s8], $0x6800  }
0xa9: {  	s28 =	smov.u32 s26;
	s24 =	sadd.s32 $0xD00, s24;
	[sflag:s8] =	ssyncset.done $0x0  }
0xaa: {  	s0 =	sshra.s32 s25, $0x2;
	[sflag:s8] =	ssyncadd.s32 $0xFFFF9800  }
0xab: {  	[tilespmem:s11], [sflag:$0x1] =	stream.indirect.gather [hbm4b:s4+s10], $0x10, s0, s10, $0xb8;
	[tilespmem:$0xD000] =	vst v63  }
0xac: {  	s31 =	rddreg [dreg:$0x5];
	s26 =	sadd.s32 $0x80, s0  }
0xad: {  	[tilespmem:s31], [sflag:$0x1] =	stream.indirect.gather [hbm4b:s4+s10], $0x10, s26, s10, $0xb8;
	[tilespmem:$0xD000] =	vst v63  }
0xae: {  	s28 =	rddreg [dreg:$0x6];
	s26 =	sadd.s32 $0x100, s0  }
0xaf: {  	[tilespmem:s28], [sflag:$0x1] =	stream.indirect.gather [hbm4b:s4+s10], $0x10, s26, s10, $0xb8;
	[tilespmem:$0xD000] =	vst v63  }
0xb0: {  	s28 =	sadd.s32 $0x180, s0  }
0xb1: {  	[tilespmem:s12], [sflag:$0x1] =	stream.indirect.gather [hbm4b:s4+s10], $0x10, s28, s10, $0xb8;
	[tilespmem:$0xD000] =	vst v63  }
0xb2: {  	s29 =	sadd.s32 $0x200, s0  }
0xb3: {  	[tilespmem:s13], [sflag:$0x1] =	stream.indirect.gather [hbm4b:s4+s10], $0x10, s29, s10, $0xb8;
	[tilespmem:$0xD000] =	vst v63  }
0xb4: {  	s30 =	sadd.s32 $0x280, s0  }
0xb5: {  	[tilespmem:s14], [sflag:$0x1] =	stream.indirect.gather [hbm4b:s4+s10], $0x10, s30, s10, $0xb8;
	[tilespmem:$0xD000] =	vst v63  }
0xb6: {  	s31 =	sadd.s32 $0x300, s0  }
0xb7: {  	[tilespmem:s15], [sflag:$0x1] =	stream.indirect.gather [hbm4b:s4+s10], $0x10, s31, s10, $0xb8;
	[tilespmem:$0xD000] =	vst v63  }
0xb8: {  	s26 =	sadd.s32 $0x380, s0  }
0xb9: {  	[tilespmem:s16], [sflag:$0x1] =	stream.indirect.gather [hbm4b:s4+s10], $0x10, s26, s10, $0xb8;
	[tilespmem:$0xD000] =	vst v63  }
0xba: {  	s28 =	sadd.s32 $0x400, s0  }
0xbb: {  	[tilespmem:s17], [sflag:$0x1] =	stream.indirect.gather [hbm4b:s4+s10], $0x10, s28, s10, $0xb8;
	[tilespmem:$0xD000] =	vst v63  }
0xbc: {  	s29 =	sadd.s32 $0x480, s0  }
0xbd: {  	[tilespmem:s18], [sflag:$0x1] =	stream.indirect.gather [hbm4b:s4+s10], $0x10, s29, s10, $0xb8;
	[tilespmem:$0xD000] =	vst v63  }
0xbe: {  	s30 =	sadd.s32 $0x500, s0  }
0xbf: {  	[tilespmem:s19], [sflag:$0x1] =	stream.indirect.gather [hbm4b:s4+s10], $0x10, s30, s10, $0xb8;
	[tilespmem:$0xD000] =	vst v63  }
0xc0: {  	s31 =	sadd.s32 $0x580, s0  }
0xc1: {  	[tilespmem:s20], [sflag:$0x1] =	stream.indirect.gather [hbm4b:s4+s10], $0x10, s31, s10, $0xb8;
	[tilespmem:$0xD000] =	vst v63  }
0xc2: {  	s0 =	sadd.s32 $0x600, s0  }
0xc3: {  	[tilespmem:s21], [sflag:$0x1] =	stream.indirect.gather [hbm4b:s4+s10], $0x10, s0, s10, $0xb8;
	[tilespmem:$0xD000] =	vst v63  }
0xc4: {  	_ =	swait.ge [sflag:s22], $0x800  }
0xc5: {  	[sflag:s22] =	ssyncset.done $0x0  }
0xc6: {  	[sflag:s22] =	ssyncadd.s32 $0xFFFFF800  }
0xc7: {  	_ =	swait.ge [sflag:s22], $0x800  }
0xc8: {  	[sflag:s22] =	ssyncset.done $0x0  }
0xc9: {  	[sflag:s22] =	ssyncadd.s32 $0xFFFFF800  }
0xca: {  	_ =	swait.ge [sflag:s22], $0x800  }
0xcb: {  	[sflag:s22] =	ssyncset.done $0x0  }
0xcc: {  	[sflag:s22] =	ssyncadd.s32 $0xFFFFF800  }
0xcd: {  	_ =	swait.ge [sflag:s22], $0x800  }
0xce: {  	[sflag:s22] =	ssyncset.done $0x0  }
0xcf: {  	[sflag:s22] =	ssyncadd.s32 $0xFFFFF800  }
0xd0: {  	_ =	swait.ge [sflag:s22], $0x800  }
0xd1: {  	[sflag:s22] =	ssyncset.done $0x0  }
0xd2: {  	[sflag:s22] =	ssyncadd.s32 $0xFFFFF800  }
0xd3: {  	_ =	swait.ge [sflag:s22], $0x800  }
0xd4: {  	[sflag:s22] =	ssyncset.done $0x0  }
0xd5: {  	[sflag:s22] =	ssyncadd.s32 $0xFFFFF800  }
0xd6: {  	_ =	swait.ge [sflag:s22], $0x800  }
0xd7: {  	[sflag:s22] =	ssyncset.done $0x0  }
0xd8: {  	[sflag:s22] =	ssyncadd.s32 $0xFFFFF800  }
0xd9: {  	_ =	swait.ge [sflag:s22], $0x800  }
0xda: {  	[sflag:s22] =	ssyncset.done $0x0  }
0xdb: {  	[sflag:s22] =	ssyncadd.s32 $0xFFFFF800  }
0xdc: {  	_ =	swait.ge [sflag:s22], $0x800  }
0xdd: {  	[sflag:s22] =	ssyncset.done $0x0  }
0xde: {  	[sflag:s22] =	ssyncadd.s32 $0xFFFFF800  }
0xdf: {  	_ =	swait.ge [sflag:s22], $0x800  }
0xe0: {  	[sflag:s22] =	ssyncset.done $0x0  }
0xe1: {  	[sflag:s22] =	ssyncadd.s32 $0xFFFFF800  }
0xe2: {  	_ =	swait.ge [sflag:s22], $0x800  }
0xe3: {  	[sflag:s22] =	ssyncset.done $0x0  }
0xe4: {  	[sflag:s22] =	ssyncadd.s32 $0xFFFFF800  }
0xe5: {  	_ =	swait.ge [sflag:s22], $0x800  }
0xe6: {  	[sflag:s22] =	ssyncset.done $0x0  }
0xe7: {  	[sflag:s22] =	ssyncadd.s32 $0xFFFFF800  }
0xe8: {  	s23 =	sadd.s32 $0x1, s23;
	_ =	swait.ge [sflag:s22], $0x800  }
0xe9: {  	p0 =	sne.s32 s23, s6;
	[sflag:s22] =	ssyncset.done $0x0  }
.Ltmp2:
0xea: {  	[sflag:s22] =	ssyncadd.s32 $0xFFFFF800;
	(pc) =	sbr.rel @p0 .LBB2_1-.Ltmp2, $4  }
0xeb: {  	[hbm4b:s24+s3] =	stream.linear.scatter [tilespmem:s11], [sflag:$0x2], $0x6800, $0x38;
	[tilespmem:$0xD000] =	vst v63  }
0xec: {  	_ =	swait.ge [sflag:s8], $0x6800  }
0xed: {  	[sflag:s8] =	ssyncset.done $0x0  }
0xee: {  	[sflag:s8] =	ssyncadd.s32 $0xFFFF9800  }
0xef: {  	_ =	sfence.sel $0x180000  }
0xf0: {  	[bflag:$0x0] =	sbarrier.arrive $0xFFFF  }
0xf1: {  	_ =	strace $0x90000047  }
0xf2: {  	[bflag:$0x2] =	sbarrier.arrive $0xFFFF  }
0xf3: {  	p0 =	sne.s32 s2, $0x0;
	s0 =	rddreg [dreg:$0x4]  }
0xf4: {  	s0 =	sadd.s32 @!p0 $0x100000, s0  }
0xf5: {  	[sflag:s0] =	ssyncadd.tile.s32 @!p0 $0x1;
	_ =	shalt  }
.Lfunc_end2:
_tile_overlayer_lowered:
.L_overlay_start_2:
0xf6: {  	(tag) =	ssettag $0x2  }
0xf7: {  	s0 =	rddreg [dreg:$0x0];
	s2 =	stileid.u32  }
0xf8: {  	s1 =	rddreg [dreg:$0x1];
	p0 =	sne.s32 s2, $0x0  }
0xf9: {  	s3 =	rddreg [dreg:$0x2];
	[bflag:$0x3] =	sbarrier.arrive $0xFFFF;
	s2 =	simm.s32 @!p0 $0x1C02  }
0xfa: {  	[timem:s3], [sflag:s2] =	dma.local @!p0 [hbm:s0], s1  }
0xfb: {  	s0 =	simm.s32 @!p0 $0x2  }
0xfc: {  	_ =	swait.ge @!p0 [sflag:s0], s1  }
0xfd: {  	s1 =	ssub.s32 @!p0 $0x0, s1;
	[sflag:s0] =	ssyncset.done @!p0 $0x0  }
0xfe: {  	[sflag:s0] =	ssyncadd.s32 @!p0 s1  }
0xff: {  	[bflag:$0x3] =	sbarrier.arrive $0xFFFF  }
0x100: {  	_ =	shalt  }

</sc_bundles>
